<compile_context>
chip_gen: v7x
topology: tpu7x:2x2x1
jax: 0.10.2.dev20260603
libtpu: 0.0.44.dev20260713+nightly
codegen_flags: <defaults>
</compile_context>

<pallas_src>
import functools

import jax
import jax.numpy as jnp
from jax import lax
from jax.experimental import pallas as pl
from jax.experimental.pallas import tpu as pltpu
from jax.experimental.pallas import tpu_sc as plsc

_N, _E, _D, _H, _O = 10000, 320000, 128, 128, 16
_NP = 10240
_NC, _NS = 2, 16
_EPW = _E // (_NC * _NS)
_CH = 80

_mesh = plsc.VectorSubcoreMesh(core_axis_name="c", subcore_axis_name="s")


_NCH = _EPW // _CH


def _deg_body(dst_hbm, out_hbm, ones_v, idx_v, zbuf, deg_sh, sem):
    c = lax.axis_index("c")
    s = lax.axis_index("s")
    wid = c * _NS + s

    @pl.loop(0, _CH, step=16)
    def _(i):
        ones_v[pl.ds(i, 16)] = jnp.ones((16,), jnp.float32)

    @pl.loop(0, 640, step=16)
    def _(i):
        zbuf[pl.ds(i, 16)] = jnp.zeros((16,), jnp.float32)

    pltpu.sync_copy(zbuf, deg_sh.at[pl.ds(s * 640, 640)])
    plsc.subcore_barrier()

    @pl.loop(0, _NCH)
    def _(j):
        pltpu.sync_copy(dst_hbm.at[wid, j], idx_v)
        pltpu.sync_copy(ones_v, deg_sh.at[idx_v], add=True)

    plsc.subcore_barrier()
    pltpu.sync_copy(deg_sh.at[pl.ds(s * 640, 640)],
                    out_hbm.at[c, pl.ds(s * 640, 640)])


def _sc_degree(dst2):
    k = pl.kernel(
        _deg_body,
        out_type=jax.ShapeDtypeStruct((_NC, _NP), jnp.float32),
        mesh=_mesh,
        scratch_types=[
            pltpu.VMEM((_CH,), jnp.float32),
            pltpu.VMEM((_CH,), jnp.int32),
            pltpu.VMEM((640,), jnp.float32),
            pltpu.VMEM_SHARED((_NP,), jnp.float32),
            pltpu.SemaphoreType.DMA,
        ],
    )
    return k(dst2)


def _msg_body(xwn_hbm, src_hbm, dst_hbm, out_hbm,
              sidx0, didx0, sidx1, didx1, rows0, rows1,
              zbuf, acc_sh, semi, sema, semb):
    c = lax.axis_index("c")
    s = lax.axis_index("s")
    wid = c * _NS + s

    @pl.loop(0, 128)
    def _(i):
        @pl.loop(0, 128, step=16)
        def _(j):
            zbuf[i, pl.ds(j, 16)] = jnp.zeros((16,), jnp.float32)

    @pl.loop(0, 5)
    def _(kk):
        pltpu.sync_copy(zbuf, acc_sh.at[pl.ds(s * 640 + kk * 128, 128), :])

    plsc.subcore_barrier()

    pltpu.sync_copy(src_hbm.at[wid, 0], sidx0)
    pltpu.sync_copy(dst_hbm.at[wid, 0], didx0)
    pltpu.async_copy(xwn_hbm.at[sidx0], rows0, sema)
    pltpu.async_copy(src_hbm.at[wid, 1], sidx1, semi)
    pltpu.async_copy(dst_hbm.at[wid, 1], didx1, semi)

    @pl.loop(0, _NCH - 1, step=2)
    def _(j):
        pltpu.make_async_copy(src_hbm.at[wid, 0], sidx1, semi).wait()
        pltpu.make_async_copy(dst_hbm.at[wid, 0], didx1, semi).wait()
        pltpu.async_copy(xwn_hbm.at[sidx1], rows1, semb)
        pltpu.make_async_copy(xwn_hbm.at[sidx0], rows0, sema).wait()
        pltpu.sync_copy(rows0, acc_sh.at[didx0], add=True)
        pltpu.async_copy(src_hbm.at[wid, j + 2], sidx0, semi)
        pltpu.async_copy(dst_hbm.at[wid, j + 2], didx0, semi)
        pltpu.make_async_copy(src_hbm.at[wid, 0], sidx0, semi).wait()
        pltpu.make_async_copy(dst_hbm.at[wid, 0], didx0, semi).wait()
        pltpu.async_copy(xwn_hbm.at[sidx0], rows0, sema)
        pltpu.make_async_copy(xwn_hbm.at[sidx1], rows1, semb).wait()
        pltpu.sync_copy(rows1, acc_sh.at[didx1], add=True)
        jm = jnp.minimum(j + 3, _NCH - 1)
        pltpu.async_copy(src_hbm.at[wid, jm], sidx1, semi)
        pltpu.async_copy(dst_hbm.at[wid, jm], didx1, semi)

    pltpu.make_async_copy(src_hbm.at[wid, 0], sidx1, semi).wait()
    pltpu.make_async_copy(dst_hbm.at[wid, 0], didx1, semi).wait()
    pltpu.make_async_copy(xwn_hbm.at[sidx0], rows0, sema).wait()
    pltpu.sync_copy(rows0, acc_sh.at[didx0], add=True)

    plsc.subcore_barrier()

    @pl.loop(0, 5)
    def _(kk):
        pltpu.sync_copy(acc_sh.at[pl.ds(s * 640 + kk * 128, 128), :],
                        out_hbm.at[c, pl.ds(s * 640 + kk * 128, 128), :])


def _sc_message(xwn, src2, dst2):
    k = pl.kernel(
        _msg_body,
        out_type=jax.ShapeDtypeStruct((_NC, _NP, _H), jnp.float32),
        mesh=_mesh,
        scratch_types=[
            pltpu.VMEM((_CH,), jnp.int32),
            pltpu.VMEM((_CH,), jnp.int32),
            pltpu.VMEM((_CH,), jnp.int32),
            pltpu.VMEM((_CH,), jnp.int32),
            pltpu.VMEM((_CH, _H), jnp.float32),
            pltpu.VMEM((_CH, _H), jnp.float32),
            pltpu.VMEM((128, _H), jnp.float32),
            pltpu.VMEM_SHARED((_NP, _H), jnp.float32),
            pltpu.SemaphoreType.DMA,
            pltpu.SemaphoreType.DMA,
            pltpu.SemaphoreType.DMA,
        ],
    )
    return k(xwn, src2, dst2)


def _xw_body(x_ref, w_ref, o_ref):
    o_ref[...] = jnp.dot(x_ref[...], w_ref[...],
                         preferred_element_type=jnp.float32)


def _tc_xw(x, W):
    return pl.pallas_call(
        _xw_body,
        out_shape=jax.ShapeDtypeStruct((_N, _H), jnp.float32),
        grid=(5,),
        in_specs=[pl.BlockSpec((2000, _D), lambda i: (i, 0)),
                  pl.BlockSpec((_D, _H), lambda i: (0, 0))],
        out_specs=pl.BlockSpec((2000, _H), lambda i: (i, 0)),
    )(x, W)


def _scale_body(p0_ref, p1_ref, xw_ref, xwn_ref, dinv_ref):
    deg = 1.0 + p0_ref[...] + p1_ref[...]
    dinv = lax.rsqrt(jnp.maximum(deg, 1.0))
    dinv_ref[...] = dinv
    xwn_ref[...] = xw_ref[...] * dinv


def _tc_scale(p0, p1, xw):
    blk = 1000
    return pl.pallas_call(
        _scale_body,
        out_shape=(jax.ShapeDtypeStruct((_N, _H), jnp.float32),
                   jax.ShapeDtypeStruct((_N, 1), jnp.float32)),
        grid=(_N // blk,),
        in_specs=[pl.BlockSpec((blk, 1), lambda i: (i, 0)),
                  pl.BlockSpec((blk, 1), lambda i: (i, 0)),
                  pl.BlockSpec((blk, _H), lambda i: (i, 0))],
        out_specs=(pl.BlockSpec((blk, _H), lambda i: (i, 0)),
                   pl.BlockSpec((blk, 1), lambda i: (i, 0))),
    )(p0, p1, xw)


def _fin_body(p0_ref, p1_ref, xwn_ref, dinv_ref, b_ref, h0_ref):
    h0_ref[...] = jnp.maximum(
        dinv_ref[...] * (p0_ref[...] + p1_ref[...] + xwn_ref[...])
        + b_ref[...], 0.0)


def _tc_finalize(p0, p1, xwn, dinv, b):
    blk = 1000
    return pl.pallas_call(
        _fin_body,
        out_shape=jax.ShapeDtypeStruct((_N, _H), jnp.float32),
        grid=(_N // blk,),
        in_specs=[pl.BlockSpec((blk, _H), lambda i: (i, 0)),
                  pl.BlockSpec((blk, _H), lambda i: (i, 0)),
                  pl.BlockSpec((blk, _H), lambda i: (i, 0)),
                  pl.BlockSpec((blk, 1), lambda i: (i, 0)),
                  pl.BlockSpec((1, _H), lambda i: (0, 0))],
        out_specs=pl.BlockSpec((blk, _H), lambda i: (i, 0)),
    )(p0, p1, xwn, dinv, b)


_C, _L, _W = 80, 128, 64
_NPAD = _C * _L


def _chunk_scan(gi_ref, whh_ref, bhh_ref, ys_ref):
    bhh = bhh_ref[...]

    def gate(h, g):
        gh = jnp.dot(h.astype(jnp.bfloat16), whh_ref[...],
                     preferred_element_type=jnp.float32) + bhh
        r = jax.nn.sigmoid(g[:, :_H] + gh[:, :_H])
        z = jax.nn.sigmoid(g[:, _H:2 * _H] + gh[:, _H:2 * _H])
        n = jnp.tanh(g[:, 2 * _H:] + r * gh[:, 2 * _H:])
        return (1.0 - z) * n + z * h

    def wstep(i, h):
        g = gi_ref[pl.ds(_L - _W + i, 1), :, :].reshape(_C, 3 * _H)
        return gate(h, g)

    h = lax.fori_loop(0, _W, wstep, jnp.zeros((_C, _H), jnp.float32))
    h = jnp.concatenate([jnp.zeros((1, _H), jnp.float32), h[:-1, :]], axis=0)

    def mstep(t, h):
        g = gi_ref[pl.ds(t, 1), :, :].reshape(_C, 3 * _H)
        h = gate(h, g)
        ys_ref[pl.ds(t, 1), :, :] = h.reshape(1, _C, _H)
        return h

    lax.fori_loop(0, _L, mstep, h)


def _gru_body(h0_ref, wih1t_ref, bih1_ref, whh1t_ref, bhh1_ref,
              wih2t_ref, bih2_ref, whh2t_ref, bhh2_ref,
              wc_ref, bc_ref, out_ref, hr_ref, gi_ref, ys1_ref):
    def rearr(c, _):
        v = h0_ref[pl.ds(pl.multiple_of(c * _L, 8), _L), :]
        hr_ref[:, pl.ds(c, 1), :] = v.reshape(_L, 1, _H)
        return 0
    lax.fori_loop(0, _C, rearr, 0)

    def proj(src_ref, wt_ref, bias_ref, n_in):
        bias = bias_ref[...]

        def body(t, _):
            rows = src_ref[pl.ds(t, 1), :, :].reshape(_C, n_in)
            g = jnp.dot(rows, wt_ref[...],
                        preferred_element_type=jnp.float32) + bias
            gi_ref[pl.ds(t, 1), :, :] = g.reshape(1, _C, 3 * _H)
            return 0
        lax.fori_loop(0, _L, body, 0)

    proj(hr_ref, wih1t_ref, bih1_ref, _H)
    _chunk_scan(gi_ref, whh1t_ref, bhh1_ref, ys1_ref)
    proj(ys1_ref, wih2t_ref, bih2_ref, _H)
    _chunk_scan(gi_ref, whh2t_ref, bhh2_ref, hr_ref)

    bc = bc_ref[...]

    def unrearr(c, _):
        v = hr_ref[:, pl.ds(c, 1), :].reshape(_L, _H)
        out_ref[pl.ds(pl.multiple_of(c * _L, 8), _L), :] = jnp.dot(
            v, wc_ref[...], preferred_element_type=jnp.float32) + bc
        return 0
    lax.fori_loop(0, _C, unrearr, 0)


def _tc_gru(h0p, wih1t, bih1, whh1t, bhh1, wih2t, bih2, whh2t, bhh2, wc, bc):
    return pl.pallas_call(
        _gru_body,
        out_shape=jax.ShapeDtypeStruct((_NPAD, _O), jnp.float32),
        scratch_shapes=[
            pltpu.VMEM((_L, _C, _H), jnp.float32),
            pltpu.VMEM((_L, _C, 3 * _H), jnp.float32),
            pltpu.VMEM((_L, _C, _H), jnp.float32),
        ],
    )(h0p, wih1t, bih1, whh1t, bhh1, wih2t, bih2, whh2t, bhh2, wc, bc)


def kernel(x, edge_index, W, b, Wih1, Whh1, bih1, bhh1,
           Wih2, Whh2, bih2, bhh2, Wc, bc):
    nw = _NC * _NS
    src2 = edge_index[0].reshape(nw, _NCH, _CH)
    dst2 = edge_index[1].reshape(nw, _NCH, _CH)

    deg_p = _sc_degree(dst2)
    xw = _tc_xw(x, W)

    degp0 = deg_p[0, :_N].reshape(_N, 1)
    degp1 = deg_p[1, :_N].reshape(_N, 1)
    xwn, dinv = _tc_scale(degp0, degp1, xw)

    acc_p = _sc_message(xwn, src2, dst2)
    p0 = acc_p[0, :_N]
    p1 = acc_p[1, :_N]

    h0 = _tc_finalize(p0, p1, xwn, dinv, b.reshape(1, _H))
    h0p = jnp.pad(h0, ((0, _NPAD - _N), (0, 0)))
    out = _tc_gru(
        h0p, Wih1.T, bih1.reshape(1, 3 * _H),
        Whh1.T.astype(jnp.bfloat16), bhh1.reshape(1, 3 * _H),
        Wih2.T, bih2.reshape(1, 3 * _H),
        Whh2.T.astype(jnp.bfloat16), bhh2.reshape(1, 3 * _H),
        Wc, bc.reshape(1, _O))
    return out[:_N]

# --- scband reference (transcript-rebuilt; emitter-appended) ---
"""Pipeline reference for scband-gcn-bi-gru-60026462929222 (READ-ONLY COPY).

The authoritative reference and input builder live on the scoring server;
editing this copy changes nothing except your own understanding.
"""

import jax, jax.numpy as jnp
import numpy as np

N, E, D, H, O = 10000, 320000, 128, 128, 16

def setup_inputs(seed: int = 0):
    key = jax.random.key(seed)
    ks = jax.random.split(key, 16)
    x = jax.random.normal(ks[0], (N, D), dtype=jnp.float32)
    edge_index = jax.random.randint(ks[1], (2, E), 0, N, dtype=jnp.int32)
    W = jax.random.normal(ks[2], (D, H), dtype=jnp.float32) * 0.05
    b = jnp.zeros((H,), dtype=jnp.float32)
    Wih1 = jax.random.normal(ks[3], (3 * H, H), dtype=jnp.float32) * 0.05
    Whh1 = jax.random.normal(ks[4], (3 * H, H), dtype=jnp.float32) * 0.05
    bih1 = jax.random.normal(ks[5], (3 * H,), dtype=jnp.float32) * 0.05
    bhh1 = jax.random.normal(ks[6], (3 * H,), dtype=jnp.float32) * 0.05
    Wih2 = jax.random.normal(ks[7], (3 * H, H), dtype=jnp.float32) * 0.05
    Whh2 = jax.random.normal(ks[8], (3 * H, H), dtype=jnp.float32) * 0.05
    bih2 = jax.random.normal(ks[9], (3 * H,), dtype=jnp.float32) * 0.05
    bhh2 = jax.random.normal(ks[10], (3 * H,), dtype=jnp.float32) * 0.05
    Wc = jax.random.normal(ks[11], (H, O), dtype=jnp.float32) * 0.05
    bc = jnp.zeros((O,), dtype=jnp.float32)
    return {"x": x, "edge_index": edge_index, "W": W, "b": b,
            "Wih1": Wih1, "Whh1": Whh1, "bih1": bih1, "bhh1": bhh1,
            "Wih2": Wih2, "Whh2": Whh2, "bih2": bih2, "bhh2": bhh2,
            "Wc": Wc, "bc": bc}

def _gcn_conv(x, edge_index, W, b):
    n = x.shape[0]
    loop = jnp.arange(n, dtype=edge_index.dtype)
    src = jnp.concatenate([edge_index[0], loop])
    dst = jnp.concatenate([edge_index[1], loop])
    xw = x @ W
    deg = jnp.zeros((n,), dtype=x.dtype).at[dst].add(1.0)
    dinv = jax.lax.rsqrt(jnp.maximum(deg, 1.0))
    norm = dinv[src] * dinv[dst]
    msg = xw[src] * norm[:, None]
    out = jnp.zeros_like(xw).at[dst].add(msg)
    return out + b

def _gru(xs, Wih, Whh, bih, bhh):
    h_dim = Whh.shape[1]
    def step(h, xt):
        gi = Wih @ xt + bih
        gh = Whh @ h + bhh
        r = jax.nn.sigmoid(gi[:h_dim] + gh[:h_dim])
        z = jax.nn.sigmoid(gi[h_dim:2 * h_dim] + gh[h_dim:2 * h_dim])
        nn_ = jnp.tanh(gi[2 * h_dim:] + r * gh[2 * h_dim:])
        h2 = (1.0 - z) * nn_ + z * h
        return h2, h2
    h0 = jnp.zeros((h_dim,), dtype=xs.dtype)
    _, ys = jax.lax.scan(step, h0, xs)
    return ys

def reference(x, edge_index, W, b, Wih1, Whh1, bih1, bhh1, Wih2, Whh2, bih2, bhh2, Wc, bc):
    h = jax.nn.relu(_gcn_conv(x, edge_index, W, b))
    h = _gru(h, Wih1, Whh1, bih1, bhh1)
    h = _gru(h, Wih2, Whh2, bih2, bhh2)
    out = h @ Wc + bc
    return jnp.squeeze(out)

if __name__ == "__main__":
    import jax
    _d = setup_inputs()
    print(jax.jit(kernel)(*tuple(_d.values())))

</pallas_src>

<mosaic_0001>
#map = affine_map<(d0, d1) -> (0, 0)>
#map1 = affine_map<(d0, d1) -> (0, 0, 0)>
module attributes {stable_mosaic.version = 14 : i64} {
  func.func @_msg_body(%arg0: i32, %arg1: i32, %arg2: memref<10000x128xf32, #tpu.memory_space<hbm>>, %arg3: memref<32x125x80xi32, #tpu.memory_space<hbm>>, %arg4: memref<32x125x80xi32, #tpu.memory_space<hbm>>, %arg5: memref<2x10240x128xf32, #tpu.memory_space<hbm>>, %arg6: memref<80xi32, #tpu.memory_space<vmem>>, %arg7: memref<80xi32, #tpu.memory_space<vmem>>, %arg8: memref<80xi32, #tpu.memory_space<vmem>>, %arg9: memref<80xi32, #tpu.memory_space<vmem>>, %arg10: memref<80x128xf32, #tpu.memory_space<vmem>>, %arg11: memref<80x128xf32, #tpu.memory_space<vmem>>, %arg12: memref<128x128xf32, #tpu.memory_space<vmem>>, %arg13: memref<10240x128xf32, #tpu.memory_space<vmem_shared>>, %arg14: memref<!tpu.dma_semaphore, #tpu.memory_space<semaphore_mem>>, %arg15: memref<!tpu.dma_semaphore, #tpu.memory_space<semaphore_mem>>, %arg16: memref<!tpu.dma_semaphore, #tpu.memory_space<semaphore_mem>>) attributes {dimension_semantics = [#tpu.dimension_semantics<core_parallel>, #tpu.dimension_semantics<subcore_parallel>], iteration_bounds = array<i64: 2, 16>, scalar_prefetch = 0 : i64, scratch_operands = 11 : i64, tpu.core_type = #tpu.core_type<sc_vector_subcore>, window_params = [{transform_indices = #map}, {transform_indices = #map1}, {transform_indices = #map1}, {transform_indices = #map1}]} {
    %mul3A = arith.constant 16 : i32
    %mul3A_0 = arith.muli %arg0, %mul3A : i32
    %add3A = arith.addi %mul3A_0, %arg1 : i32
    %scan3A = arith.constant 0 : i32
    %scan3A_1 = arith.constant 128 : i32
    %scan3A_2 = arith.addi %scan3A, %scan3A_1 : i32
    %scan3A_3 = arith.constant 1 : i32
    scf.for %scan3A_54 = %scan3A to %scan3A_2 step %scan3A_3  : i32 {
      %mul3A_55 = arith.constant 1 : i32
      %mul3A_56 = arith.muli %scan3A_54, %mul3A_55 : i32
      %add3A_57 = arith.constant 0 : i32
      %add3A_58 = arith.addi %add3A_57, %mul3A_56 : i32
      %scan3A_59 = arith.constant 0 : i32
      %scan3A_60 = arith.constant 8 : i32
      %scan3A_61 = arith.addi %scan3A_59, %scan3A_60 : i32
      %scan3A_62 = arith.constant 1 : i32
      scf.for %scan3A_64 = %scan3A_59 to %scan3A_61 step %scan3A_62  : i32 {
        %mul3A_65 = arith.constant 16 : i32
        %mul3A_66 = arith.muli %scan3A_64, %mul3A_65 : i32
        %add3A_67 = arith.constant 0 : i32
        %add3A_68 = arith.addi %add3A_67, %mul3A_66 : i32
        %broadcast_in_dim3A = arith.constant 0.000000e+00 : f32
        %broadcast_in_dim3A_69 = vector.broadcast %broadcast_in_dim3A : f32 to vector<16xf32>
        %swap3A = arith.index_cast %add3A_58 : i32 to index
        %swap3A_70 = arith.index_cast %add3A_68 : i32 to index
        %swap3A_71 = tpu.vector_load %arg12[%swap3A, %swap3A_70] {strides = array<i32>} : memref<128x128xf32, #tpu.memory_space<vmem>>, vector<1x16xf32>,
        %swap3A_72 = vector.shape_cast %swap3A_71 : vector<1x16xf32> to vector<16xf32>
        %swap3A_73 = vector.shape_cast %broadcast_in_dim3A_69 : vector<16xf32> to vector<1x16xf32>
        tpu.vector_store %arg12[%swap3A, %swap3A_70], %swap3A_73 {strides = array<i32>} : memref<128x128xf32, #tpu.memory_space<vmem>>, vector<1x16xf32>,
      }
      %scan3A_63 = arith.constant 8 : i32
    }
    %scan3A_4 = arith.constant 128 : i32
    %scan3A_5 = arith.constant 0 : i32
    %scan3A_6 = arith.constant 5 : i32
    %scan3A_7 = arith.addi %scan3A_5, %scan3A_6 : i32
    %scan3A_8 = arith.constant 1 : i32
    scf.for %scan3A_54 = %scan3A_5 to %scan3A_7 step %scan3A_8  : i32 {
      %mul3A_55 = arith.constant 1 : i32
      %mul3A_56 = arith.muli %scan3A_54, %mul3A_55 : i32
      %add3A_57 = arith.constant 0 : i32
      %add3A_58 = arith.addi %add3A_57, %mul3A_56 : i32
      %mul3A_59 = arith.constant 640 : i32
      %mul3A_60 = arith.muli %arg1, %mul3A_59 : i32
      %mul3A_61 = arith.constant 128 : i32
      %mul3A_62 = arith.muli %add3A_58, %mul3A_61 : i32
      %add3A_63 = arith.addi %mul3A_60, %mul3A_62 : i32
      "tpu.region"() ({
        %run_scoped3A_64 = tpu.sem_alloc : memref<!tpu.dma_semaphore, #tpu.memory_space<semaphore_mem>>
        %dma_start3A_65 = arith.constant 0 : i32
        %dma_start3A_66 = tpu.memref_slice %arg13[%add3A_63, %dma_start3A_65] : memref<10240x128xf32, #tpu.memory_space<vmem_shared>> -> memref<128x128xf32, #tpu.memory_space<vmem_shared>>
        %dma_start3A_67 = arith.constant 0 : i32
        %dma_start3A_68 = tpu.memref_slice %arg13[%add3A_63, %dma_start3A_67] : memref<10240x128xf32, #tpu.memory_space<vmem_shared>> -> memref<128x128xf32, #tpu.memory_space<vmem_shared>>
        tpu.enqueue_dma source(%arg12 : memref<128x128xf32, #tpu.memory_space<vmem>>) target(%dma_start3A_68 : memref<128x128xf32, #tpu.memory_space<vmem_shared>>) target_semaphore(%run_scoped3A_64 : memref<!tpu.dma_semaphore, #tpu.memory_space<semaphore_mem>>)
        %dma_wait3A_69 = arith.constant 0 : i32
        %dma_wait3A_70 = tpu.memref_slice %arg13[%add3A_63, %dma_wait3A_69] : memref<10240x128xf32, #tpu.memory_space<vmem_shared>> -> memref<128x128xf32, #tpu.memory_space<vmem_shared>>
        %dma_wait3A_71 = arith.constant 0 : i32
        %dma_wait3A_72 = tpu.memref_slice %arg13[%add3A_63, %dma_wait3A_71] : memref<10240x128xf32, #tpu.memory_space<vmem_shared>> -> memref<128x128xf32, #tpu.memory_space<vmem_shared>>
        tpu.wait_dma2 semaphore(%run_scoped3A_64 : memref<!tpu.dma_semaphore, #tpu.memory_space<semaphore_mem>>) src(%arg12 : memref<128x128xf32, #tpu.memory_space<vmem>>) dst(%dma_wait3A_72 : memref<128x128xf32, #tpu.memory_space<vmem_shared>>)
        tpu.yield
      }) : () -> ()
    }
    %scan3A_9 = arith.constant 5 : i32
    %barrier3A = arith.constant 0 : index
    tpu.barrier barrier_id(%barrier3A)
    %run_scoped3A = arith.constant 0 : i32
    "tpu.region"() ({
      %run_scoped3A_54 = tpu.sem_alloc : memref<!tpu.dma_semaphore, #tpu.memory_space<semaphore_mem>>
      %dma_start3A_55 = arith.constant 0 : i32
      %dma_start3A_56 = tpu.memref_slice %arg3[%add3A, %run_scoped3A, %dma_start3A_55] : memref<32x125x80xi32, #tpu.memory_space<hbm>> -> memref<1x1x80xi32, #tpu.memory_space<hbm>>
      %dma_start3A_57 = tpu.memref_squeeze %dma_start3A_56 : memref<1x1x80xi32, #tpu.memory_space<hbm>> -> memref<80xi32, #tpu.memory_space<hbm>>
      %dma_start3A_58 = arith.constant 0 : i32
      %dma_start3A_59 = tpu.memref_slice %arg3[%add3A, %run_scoped3A, %dma_start3A_58] : memref<32x125x80xi32, #tpu.memory_space<hbm>> -> memref<1x1x80xi32, #tpu.memory_space<hbm>>
      %dma_start3A_60 = tpu.memref_squeeze %dma_start3A_59 : memref<1x1x80xi32, #tpu.memory_space<hbm>> -> memref<80xi32, #tpu.memory_space<hbm>>
      tpu.enqueue_dma source(%dma_start3A_60 : memref<80xi32, #tpu.memory_space<hbm>>) target(%arg6 : memref<80xi32, #tpu.memory_space<vmem>>) target_semaphore(%run_scoped3A_54 : memref<!tpu.dma_semaphore, #tpu.memory_space<semaphore_mem>>)
      %dma_wait3A_61 = arith.constant 0 : i32
      %dma_wait3A_62 = tpu.memref_slice %arg3[%add3A, %run_scoped3A, %dma_wait3A_61] : memref<32x125x80xi32, #tpu.memory_space<hbm>> -> memref<1x1x80xi32, #tpu.memory_space<hbm>>
      %dma_wait3A_63 = tpu.memref_squeeze %dma_wait3A_62 : memref<1x1x80xi32, #tpu.memory_space<hbm>> -> memref<80xi32, #tpu.memory_space<hbm>>
      %dma_wait3A_64 = arith.constant 0 : i32
      %dma_wait3A_65 = tpu.memref_slice %arg3[%add3A, %run_scoped3A, %dma_wait3A_64] : memref<32x125x80xi32, #tpu.memory_space<hbm>> -> memref<1x1x80xi32, #tpu.memory_space<hbm>>
      %dma_wait3A_66 = tpu.memref_squeeze %dma_wait3A_65 : memref<1x1x80xi32, #tpu.memory_space<hbm>> -> memref<80xi32, #tpu.memory_space<hbm>>
      tpu.wait_dma2 semaphore(%run_scoped3A_54 : memref<!tpu.dma_semaphore, #tpu.memory_space<semaphore_mem>>) src(%dma_wait3A_66 : memref<80xi32, #tpu.memory_space<hbm>>) dst(%arg6 : memref<80xi32, #tpu.memory_space<vmem>>)
      tpu.yield
    }) : () -> ()
    %run_scoped3A_10 = arith.constant 0 : i32
    "tpu.region"() ({
      %run_scoped3A_54 = tpu.sem_alloc : memref<!tpu.dma_semaphore, #tpu.memory_space<semaphore_mem>>
      %dma_start3A_55 = arith.constant 0 : i32
      %dma_start3A_56 = tpu.memref_slice %arg4[%add3A, %run_scoped3A_10, %dma_start3A_55] : memref<32x125x80xi32, #tpu.memory_space<hbm>> -> memref<1x1x80xi32, #tpu.memory_space<hbm>>
      %dma_start3A_57 = tpu.memref_squeeze %dma_start3A_56 : memref<1x1x80xi32, #tpu.memory_space<hbm>> -> memref<80xi32, #tpu.memory_space<hbm>>
      %dma_start3A_58 = arith.constant 0 : i32
      %dma_start3A_59 = tpu.memref_slice %arg4[%add3A, %run_scoped3A_10, %dma_start3A_58] : memref<32x125x80xi32, #tpu.memory_space<hbm>> -> memref<1x1x80xi32, #tpu.memory_space<hbm>>
      %dma_start3A_60 = tpu.memref_squeeze %dma_start3A_59 : memref<1x1x80xi32, #tpu.memory_space<hbm>> -> memref<80xi32, #tpu.memory_space<hbm>>
      tpu.enqueue_dma source(%dma_start3A_60 : memref<80xi32, #tpu.memory_space<hbm>>) target(%arg7 : memref<80xi32, #tpu.memory_space<vmem>>) target_semaphore(%run_scoped3A_54 : memref<!tpu.dma_semaphore, #tpu.memory_space<semaphore_mem>>)
      %dma_wait3A_61 = arith.constant 0 : i32
      %dma_wait3A_62 = tpu.memref_slice %arg4[%add3A, %run_scoped3A_10, %dma_wait3A_61] : memref<32x125x80xi32, #tpu.memory_space<hbm>> -> memref<1x1x80xi32, #tpu.memory_space<hbm>>
      %dma_wait3A_63 = tpu.memref_squeeze %dma_wait3A_62 : memref<1x1x80xi32, #tpu.memory_space<hbm>> -> memref<80xi32, #tpu.memory_space<hbm>>
      %dma_wait3A_64 = arith.constant 0 : i32
      %dma_wait3A_65 = tpu.memref_slice %arg4[%add3A, %run_scoped3A_10, %dma_wait3A_64] : memref<32x125x80xi32, #tpu.memory_space<hbm>> -> memref<1x1x80xi32, #tpu.memory_space<hbm>>
      %dma_wait3A_66 = tpu.memref_squeeze %dma_wait3A_65 : memref<1x1x80xi32, #tpu.memory_space<hbm>> -> memref<80xi32, #tpu.memory_space<hbm>>
      tpu.wait_dma2 semaphore(%run_scoped3A_54 : memref<!tpu.dma_semaphore, #tpu.memory_space<semaphore_mem>>) src(%dma_wait3A_66 : memref<80xi32, #tpu.memory_space<hbm>>) dst(%arg7 : memref<80xi32, #tpu.memory_space<vmem>>)
      tpu.yield
    }) : () -> ()
    %dma_start3A = arith.constant 0 : i32
    %dma_start3A_11 = arith.constant 0 : i32
    %dma_start3A_12 = tpu.memref_slice %arg2[%dma_start3A, %dma_start3A_11] : memref<10000x128xf32, #tpu.memory_space<hbm>> -> memref<10000x128xf32, #tpu.memory_space<hbm>>
    tpu.enqueue_indirect_dma source(%dma_start3A_12 : memref<10000x128xf32, #tpu.memory_space<hbm>>) target(%arg10 : memref<80x128xf32, #tpu.memory_space<vmem>>) offsets(%arg6 : memref<80xi32, #tpu.memory_space<vmem>>) semaphore(%arg15 : memref<!tpu.dma_semaphore, #tpu.memory_space<semaphore_mem>>)
    %dma_start3A_13 = arith.constant 1 : i32
    %dma_start3A_14 = arith.constant 0 : i32
    %dma_start3A_15 = tpu.memref_slice %arg3[%add3A, %dma_start3A_13, %dma_start3A_14] : memref<32x125x80xi32, #tpu.memory_space<hbm>> -> memref<1x1x80xi32, #tpu.memory_space<hbm>>
    %dma_start3A_16 = tpu.memref_squeeze %dma_start3A_15 : memref<1x1x80xi32, #tpu.memory_space<hbm>> -> memref<80xi32, #tpu.memory_space<hbm>>
    %dma_start3A_17 = arith.constant 0 : i32
    %dma_start3A_18 = tpu.memref_slice %arg3[%add3A, %dma_start3A_13, %dma_start3A_17] : memref<32x125x80xi32, #tpu.memory_space<hbm>> -> memref<1x1x80xi32, #tpu.memory_space<hbm>>
    %dma_start3A_19 = tpu.memref_squeeze %dma_start3A_18 : memref<1x1x80xi32, #tpu.memory_space<hbm>> -> memref<80xi32, #tpu.memory_space<hbm>>
    tpu.enqueue_dma source(%dma_start3A_19 : memref<80xi32, #tpu.memory_space<hbm>>) target(%arg8 : memref<80xi32, #tpu.memory_space<vmem>>) target_semaphore(%arg14 : memref<!tpu.dma_semaphore, #tpu.memory_space<semaphore_mem>>)
    %dma_start3A_20 = arith.constant 1 : i32
    %dma_start3A_21 = arith.constant 0 : i32
    %dma_start3A_22 = tpu.memref_slice %arg4[%add3A, %dma_start3A_20, %dma_start3A_21] : memref<32x125x80xi32, #tpu.memory_space<hbm>> -> memref<1x1x80xi32, #tpu.memory_space<hbm>>
    %dma_start3A_23 = tpu.memref_squeeze %dma_start3A_22 : memref<1x1x80xi32, #tpu.memory_space<hbm>> -> memref<80xi32, #tpu.memory_space<hbm>>
    %dma_start3A_24 = arith.constant 0 : i32
    %dma_start3A_25 = tpu.memref_slice %arg4[%add3A, %dma_start3A_20, %dma_start3A_24] : memref<32x125x80xi32, #tpu.memory_space<hbm>> -> memref<1x1x80xi32, #tpu.memory_space<hbm>>
    %dma_start3A_26 = tpu.memref_squeeze %dma_start3A_25 : memref<1x1x80xi32, #tpu.memory_space<hbm>> -> memref<80xi32, #tpu.memory_space<hbm>>
    tpu.enqueue_dma source(%dma_start3A_26 : memref<80xi32, #tpu.memory_space<hbm>>) target(%arg9 : memref<80xi32, #tpu.memory_space<vmem>>) target_semaphore(%arg14 : memref<!tpu.dma_semaphore, #tpu.memory_space<semaphore_mem>>)
    %scan3A_27 = arith.constant 0 : i32
    %scan3A_28 = arith.constant 62 : i32
    %scan3A_29 = arith.addi %scan3A_27, %scan3A_28 : i32
    %scan3A_30 = arith.constant 1 : i32
    scf.for %scan3A_54 = %scan3A_27 to %scan3A_29 step %scan3A_30  : i32 {
      %mul3A_55 = arith.constant 2 : i32
      %mul3A_56 = arith.muli %scan3A_54, %mul3A_55 : i32
      %add3A_57 = arith.constant 0 : i32
      %add3A_58 = arith.addi %add3A_57, %mul3A_56 : i32
      %dma_wait3A_59 = arith.constant 0 : i32
      %dma_wait3A_60 = arith.constant 0 : i32
      %dma_wait3A_61 = tpu.memref_slice %arg3[%add3A, %dma_wait3A_59, %dma_wait3A_60] : memref<32x125x80xi32, #tpu.memory_space<hbm>> -> memref<1x1x80xi32, #tpu.memory_space<hbm>>
      %dma_wait3A_62 = tpu.memref_squeeze %dma_wait3A_61 : memref<1x1x80xi32, #tpu.memory_space<hbm>> -> memref<80xi32, #tpu.memory_space<hbm>>
      %dma_wait3A_63 = arith.constant 0 : i32
      %dma_wait3A_64 = tpu.memref_slice %arg3[%add3A, %dma_wait3A_59, %dma_wait3A_63] : memref<32x125x80xi32, #tpu.memory_space<hbm>> -> memref<1x1x80xi32, #tpu.memory_space<hbm>>
      %dma_wait3A_65 = tpu.memref_squeeze %dma_wait3A_64 : memref<1x1x80xi32, #tpu.memory_space<hbm>> -> memref<80xi32, #tpu.memory_space<hbm>>
      tpu.wait_dma2 semaphore(%arg14 : memref<!tpu.dma_semaphore, #tpu.memory_space<semaphore_mem>>) src(%dma_wait3A_65 : memref<80xi32, #tpu.memory_space<hbm>>) dst(%arg8 : memref<80xi32, #tpu.memory_space<vmem>>)
      %dma_wait3A_66 = arith.constant 0 : i32
      %dma_wait3A_67 = arith.constant 0 : i32
      %dma_wait3A_68 = tpu.memref_slice %arg4[%add3A, %dma_wait3A_66, %dma_wait3A_67] : memref<32x125x80xi32, #tpu.memory_space<hbm>> -> memref<1x1x80xi32, #tpu.memory_space<hbm>>
      %dma_wait3A_69 = tpu.memref_squeeze %dma_wait3A_68 : memref<1x1x80xi32, #tpu.memory_space<hbm>> -> memref<80xi32, #tpu.memory_space<hbm>>
      %dma_wait3A_70 = arith.constant 0 : i32
      %dma_wait3A_71 = tpu.memref_slice %arg4[%add3A, %dma_wait3A_66, %dma_wait3A_70] : memref<32x125x80xi32, #tpu.memory_space<hbm>> -> memref<1x1x80xi32, #tpu.memory_space<hbm>>
      %dma_wait3A_72 = tpu.memref_squeeze %dma_wait3A_71 : memref<1x1x80xi32, #tpu.memory_space<hbm>> -> memref<80xi32, #tpu.memory_space<hbm>>
      tpu.wait_dma2 semaphore(%arg14 : memref<!tpu.dma_semaphore, #tpu.memory_space<semaphore_mem>>) src(%dma_wait3A_72 : memref<80xi32, #tpu.memory_space<hbm>>) dst(%arg9 : memref<80xi32, #tpu.memory_space<vmem>>)
      %dma_start3A_73 = arith.constant 0 : i32
      %dma_start3A_74 = arith.constant 0 : i32
      %dma_start3A_75 = tpu.memref_slice %arg2[%dma_start3A_73, %dma_start3A_74] : memref<10000x128xf32, #tpu.memory_space<hbm>> -> memref<10000x128xf32, #tpu.memory_space<hbm>>
      tpu.enqueue_indirect_dma source(%dma_start3A_75 : memref<10000x128xf32, #tpu.memory_space<hbm>>) target(%arg11 : memref<80x128xf32, #tpu.memory_space<vmem>>) offsets(%arg8 : memref<80xi32, #tpu.memory_space<vmem>>) semaphore(%arg16 : memref<!tpu.dma_semaphore, #tpu.memory_space<semaphore_mem>>)
      %dma_wait3A_76 = arith.constant 0 : i32
      %dma_wait3A_77 = arith.constant 0 : i32
      %dma_wait3A_78 = tpu.memref_slice %arg2[%dma_wait3A_76, %dma_wait3A_77] : memref<10000x128xf32, #tpu.memory_space<hbm>> -> memref<10000x128xf32, #tpu.memory_space<hbm>>
      tpu.wait_indirect_dma semaphore(%arg15 : memref<!tpu.dma_semaphore, #tpu.memory_space<semaphore_mem>>) src(%dma_wait3A_78 : memref<10000x128xf32, #tpu.memory_space<hbm>>) dst(%arg10 : memref<80x128xf32, #tpu.memory_space<vmem>>)
      "tpu.region"() ({
        %run_scoped3A_130 = tpu.sem_alloc : memref<!tpu.dma_semaphore, #tpu.memory_space<semaphore_mem>>
        %dma_start3A_131 = arith.constant 0 : i32
        %dma_start3A_132 = arith.constant 0 : i32
        %dma_start3A_133 = tpu.memref_slice %arg13[%dma_start3A_131, %dma_start3A_132] : memref<10240x128xf32, #tpu.memory_space<vmem_shared>> -> memref<10240x128xf32, #tpu.memory_space<vmem_shared>>
        tpu.enqueue_indirect_dma source(%arg10 : memref<80x128xf32, #tpu.memory_space<vmem>>) target(%dma_start3A_133 : memref<10240x128xf32, #tpu.memory_space<vmem_shared>>) offsets(%arg7 : memref<80xi32, #tpu.memory_space<vmem>>) semaphore(%run_scoped3A_130 : memref<!tpu.dma_semaphore, #tpu.memory_space<semaphore_mem>>) {add = true}
        %dma_wait3A_134 = arith.constant 0 : i32
        %dma_wait3A_135 = arith.constant 0 : i32
        %dma_wait3A_136 = tpu.memref_slice %arg13[%dma_wait3A_134, %dma_wait3A_135] : memref<10240x128xf32, #tpu.memory_space<vmem_shared>> -> memref<10240x128xf32, #tpu.memory_space<vmem_shared>>
        tpu.wait_indirect_dma semaphore(%run_scoped3A_130 : memref<!tpu.dma_semaphore, #tpu.memory_space<semaphore_mem>>) src(%arg10 : memref<80x128xf32, #tpu.memory_space<vmem>>) dst(%dma_wait3A_136 : memref<10240x128xf32, #tpu.memory_space<vmem_shared>>)
        tpu.yield
      }) : () -> ()
      %add3A_79 = arith.constant 2 : i32
      %add3A_80 = arith.addi %add3A_58, %add3A_79 : i32
      %dma_start3A_81 = arith.constant 0 : i32
      %dma_start3A_82 = tpu.memref_slice %arg3[%add3A, %add3A_80, %dma_start3A_81] : memref<32x125x80xi32, #tpu.memory_space<hbm>> -> memref<1x1x80xi32, #tpu.memory_space<hbm>>
      %dma_start3A_83 = tpu.memref_squeeze %dma_start3A_82 : memref<1x1x80xi32, #tpu.memory_space<hbm>> -> memref<80xi32, #tpu.memory_space<hbm>>
      %dma_start3A_84 = arith.constant 0 : i32
      %dma_start3A_85 = tpu.memref_slice %arg3[%add3A, %add3A_80, %dma_start3A_84] : memref<32x125x80xi32, #tpu.memory_space<hbm>> -> memref<1x1x80xi32, #tpu.memory_space<hbm>>
      %dma_start3A_86 = tpu.memref_squeeze %dma_start3A_85 : memref<1x1x80xi32, #tpu.memory_space<hbm>> -> memref<80xi32, #tpu.memory_space<hbm>>
      tpu.enqueue_dma source(%dma_start3A_86 : memref<80xi32, #tpu.memory_space<hbm>>) target(%arg6 : memref<80xi32, #tpu.memory_space<vmem>>) target_semaphore(%arg14 : memref<!tpu.dma_semaphore, #tpu.memory_space<semaphore_mem>>)
      %add3A_87 = arith.constant 2 : i32
      %add3A_88 = arith.addi %add3A_58, %add3A_87 : i32
      %dma_start3A_89 = arith.constant 0 : i32
      %dma_start3A_90 = tpu.memref_slice %arg4[%add3A, %add3A_88, %dma_start3A_89] : memref<32x125x80xi32, #tpu.memory_space<hbm>> -> memref<1x1x80xi32, #tpu.memory_space<hbm>>
      %dma_start3A_91 = tpu.memref_squeeze %dma_start3A_90 : memref<1x1x80xi32, #tpu.memory_space<hbm>> -> memref<80xi32, #tpu.memory_space<hbm>>
      %dma_start3A_92 = arith.constant 0 : i32
      %dma_start3A_93 = tpu.memref_slice %arg4[%add3A, %add3A_88, %dma_start3A_92] : memref<32x125x80xi32, #tpu.memory_space<hbm>> -> memref<1x1x80xi32, #tpu.memory_space<hbm>>
      %dma_start3A_94 = tpu.memref_squeeze %dma_start3A_93 : memref<1x1x80xi32, #tpu.memory_space<hbm>> -> memref<80xi32, #tpu.memory_space<hbm>>
      tpu.enqueue_dma source(%dma_start3A_94 : memref<80xi32, #tpu.memory_space<hbm>>) target(%arg7 : memref<80xi32, #tpu.memory_space<vmem>>) target_semaphore(%arg14 : memref<!tpu.dma_semaphore, #tpu.memory_space<semaphore_mem>>)
      %dma_wait3A_95 = arith.constant 0 : i32
      %dma_wait3A_96 = arith.constant 0 : i32
      %dma_wait3A_97 = tpu.memref_slice %arg3[%add3A, %dma_wait3A_95, %dma_wait3A_96] : memref<32x125x80xi32, #tpu.memory_space<hbm>> -> memref<1x1x80xi32, #tpu.memory_space<hbm>>
      %dma_wait3A_98 = tpu.memref_squeeze %dma_wait3A_97 : memref<1x1x80xi32, #tpu.memory_space<hbm>> -> memref<80xi32, #tpu.memory_space<hbm>>
      %dma_wait3A_99 = arith.constant 0 : i32
      %dma_wait3A_100 = tpu.memref_slice %arg3[%add3A, %dma_wait3A_95, %dma_wait3A_99] : memref<32x125x80xi32, #tpu.memory_space<hbm>> -> memref<1x1x80xi32, #tpu.memory_space<hbm>>
      %dma_wait3A_101 = tpu.memref_squeeze %dma_wait3A_100 : memref<1x1x80xi32, #tpu.memory_space<hbm>> -> memref<80xi32, #tpu.memory_space<hbm>>
      tpu.wait_dma2 semaphore(%arg14 : memref<!tpu.dma_semaphore, #tpu.memory_space<semaphore_mem>>) src(%dma_wait3A_101 : memref<80xi32, #tpu.memory_space<hbm>>) dst(%arg6 : memref<80xi32, #tpu.memory_space<vmem>>)
      %dma_wait3A_102 = arith.constant 0 : i32
      %dma_wait3A_103 = arith.constant 0 : i32
      %dma_wait3A_104 = tpu.memref_slice %arg4[%add3A, %dma_wait3A_102, %dma_wait3A_103] : memref<32x125x80xi32, #tpu.memory_space<hbm>> -> memref<1x1x80xi32, #tpu.memory_space<hbm>>
      %dma_wait3A_105 = tpu.memref_squeeze %dma_wait3A_104 : memref<1x1x80xi32, #tpu.memory_space<hbm>> -> memref<80xi32, #tpu.memory_space<hbm>>
      %dma_wait3A_106 = arith.constant 0 : i32
      %dma_wait3A_107 = tpu.memref_slice %arg4[%add3A, %dma_wait3A_102, %dma_wait3A_106] : memref<32x125x80xi32, #tpu.memory_space<hbm>> -> memref<1x1x80xi32, #tpu.memory_space<hbm>>
      %dma_wait3A_108 = tpu.memref_squeeze %dma_wait3A_107 : memref<1x1x80xi32, #tpu.memory_space<hbm>> -> memref<80xi32, #tpu.memory_space<hbm>>
      tpu.wait_dma2 semaphore(%arg14 : memref<!tpu.dma_semaphore, #tpu.memory_space<semaphore_mem>>) src(%dma_wait3A_108 : memref<80xi32, #tpu.memory_space<hbm>>) dst(%arg7 : memref<80xi32, #tpu.memory_space<vmem>>)
      %dma_start3A_109 = arith.constant 0 : i32
      %dma_start3A_110 = arith.constant 0 : i32
      %dma_start3A_111 = tpu.memref_slice %arg2[%dma_start3A_109, %dma_start3A_110] : memref<10000x128xf32, #tpu.memory_space<hbm>> -> memref<10000x128xf32, #tpu.memory_space<hbm>>
      tpu.enqueue_indirect_dma source(%dma_start3A_111 : memref<10000x128xf32, #tpu.memory_space<hbm>>) target(%arg10 : memref<80x128xf32, #tpu.memory_space<vmem>>) offsets(%arg6 : memref<80xi32, #tpu.memory_space<vmem>>) semaphore(%arg15 : memref<!tpu.dma_semaphore, #tpu.memory_space<semaphore_mem>>)
      %dma_wait3A_112 = arith.constant 0 : i32
      %dma_wait3A_113 = arith.constant 0 : i32
      %dma_wait3A_114 = tpu.memref_slice %arg2[%dma_wait3A_112, %dma_wait3A_113] : memref<10000x128xf32, #tpu.memory_space<hbm>> -> memref<10000x128xf32, #tpu.memory_space<hbm>>
      tpu.wait_indirect_dma semaphore(%arg16 : memref<!tpu.dma_semaphore, #tpu.memory_space<semaphore_mem>>) src(%dma_wait3A_114 : memref<10000x128xf32, #tpu.memory_space<hbm>>) dst(%arg11 : memref<80x128xf32, #tpu.memory_space<vmem>>)
      "tpu.region"() ({
        %run_scoped3A_130 = tpu.sem_alloc : memref<!tpu.dma_semaphore, #tpu.memory_space<semaphore_mem>>
        %dma_start3A_131 = arith.constant 0 : i32
        %dma_start3A_132 = arith.constant 0 : i32
        %dma_start3A_133 = tpu.memref_slice %arg13[%dma_start3A_131, %dma_start3A_132] : memref<10240x128xf32, #tpu.memory_space<vmem_shared>> -> memref<10240x128xf32, #tpu.memory_space<vmem_shared>>
        tpu.enqueue_indirect_dma source(%arg11 : memref<80x128xf32, #tpu.memory_space<vmem>>) target(%dma_start3A_133 : memref<10240x128xf32, #tpu.memory_space<vmem_shared>>) offsets(%arg9 : memref<80xi32, #tpu.memory_space<vmem>>) semaphore(%run_scoped3A_130 : memref<!tpu.dma_semaphore, #tpu.memory_space<semaphore_mem>>) {add = true}
        %dma_wait3A_134 = arith.constant 0 : i32
        %dma_wait3A_135 = arith.constant 0 : i32
        %dma_wait3A_136 = tpu.memref_slice %arg13[%dma_wait3A_134, %dma_wait3A_135] : memref<10240x128xf32, #tpu.memory_space<vmem_shared>> -> memref<10240x128xf32, #tpu.memory_space<vmem_shared>>
        tpu.wait_indirect_dma semaphore(%run_scoped3A_130 : memref<!tpu.dma_semaphore, #tpu.memory_space<semaphore_mem>>) src(%arg11 : memref<80x128xf32, #tpu.memory_space<vmem>>) dst(%dma_wait3A_136 : memref<10240x128xf32, #tpu.memory_space<vmem_shared>>)
        tpu.yield
      }) : () -> ()
      %add3A_115 = arith.constant 3 : i32
      %add3A_116 = arith.addi %add3A_58, %add3A_115 : i32
      %min3A = arith.constant 124 : i32
      %min3A_117 = arith.minsi %add3A_116, %min3A : i32
      %dma_start3A_118 = arith.constant 0 : i32
      %dma_start3A_119 = tpu.memref_slice %arg3[%add3A, %min3A_117, %dma_start3A_118] : memref<32x125x80xi32, #tpu.memory_space<hbm>> -> memref<1x1x80xi32, #tpu.memory_space<hbm>>
      %dma_start3A_120 = tpu.memref_squeeze %dma_start3A_119 : memref<1x1x80xi32, #tpu.memory_space<hbm>> -> memref<80xi32, #tpu.memory_space<hbm>>
      %dma_start3A_121 = arith.constant 0 : i32
      %dma_start3A_122 = tpu.memref_slice %arg3[%add3A, %min3A_117, %dma_start3A_121] : memref<32x125x80xi32, #tpu.memory_space<hbm>> -> memref<1x1x80xi32, #tpu.memory_space<hbm>>
      %dma_start3A_123 = tpu.memref_squeeze %dma_start3A_122 : memref<1x1x80xi32, #tpu.memory_space<hbm>> -> memref<80xi32, #tpu.memory_space<hbm>>
      tpu.enqueue_dma source(%dma_start3A_123 : memref<80xi32, #tpu.memory_space<hbm>>) target(%arg8 : memref<80xi32, #tpu.memory_space<vmem>>) target_semaphore(%arg14 : memref<!tpu.dma_semaphore, #tpu.memory_space<semaphore_mem>>)
      %dma_start3A_124 = arith.constant 0 : i32
      %dma_start3A_125 = tpu.memref_slice %arg4[%add3A, %min3A_117, %dma_start3A_124] : memref<32x125x80xi32, #tpu.memory_space<hbm>> -> memref<1x1x80xi32, #tpu.memory_space<hbm>>
      %dma_start3A_126 = tpu.memref_squeeze %dma_start3A_125 : memref<1x1x80xi32, #tpu.memory_space<hbm>> -> memref<80xi32, #tpu.memory_space<hbm>>
      %dma_start3A_127 = arith.constant 0 : i32
      %dma_start3A_128 = tpu.memref_slice %arg4[%add3A, %min3A_117, %dma_start3A_127] : memref<32x125x80xi32, #tpu.memory_space<hbm>> -> memref<1x1x80xi32, #tpu.memory_space<hbm>>
      %dma_start3A_129 = tpu.memref_squeeze %dma_start3A_128 : memref<1x1x80xi32, #tpu.memory_space<hbm>> -> memref<80xi32, #tpu.memory_space<hbm>>
      tpu.enqueue_dma source(%dma_start3A_129 : memref<80xi32, #tpu.memory_space<hbm>>) target(%arg9 : memref<80xi32, #tpu.memory_space<vmem>>) target_semaphore(%arg14 : memref<!tpu.dma_semaphore, #tpu.memory_space<semaphore_mem>>)
    }
    %scan3A_31 = arith.constant 62 : i32
    %dma_wait3A = arith.constant 0 : i32
    %dma_wait3A_32 = arith.constant 0 : i32
    %dma_wait3A_33 = tpu.memref_slice %arg3[%add3A, %dma_wait3A, %dma_wait3A_32] : memref<32x125x80xi32, #tpu.memory_space<hbm>> -> memref<1x1x80xi32, #tpu.memory_space<hbm>>
    %dma_wait3A_34 = tpu.memref_squeeze %dma_wait3A_33 : memref<1x1x80xi32, #tpu.memory_space<hbm>> -> memref<80xi32, #tpu.memory_space<hbm>>
    %dma_wait3A_35 = arith.constant 0 : i32
    %dma_wait3A_36 = tpu.memref_slice %arg3[%add3A, %dma_wait3A, %dma_wait3A_35] : memref<32x125x80xi32, #tpu.memory_space<hbm>> -> memref<1x1x80xi32, #tpu.memory_space<hbm>>
    %dma_wait3A_37 = tpu.memref_squeeze %dma_wait3A_36 : memref<1x1x80xi32, #tpu.memory_space<hbm>> -> memref<80xi32, #tpu.memory_space<hbm>>
    tpu.wait_dma2 semaphore(%arg14 : memref<!tpu.dma_semaphore, #tpu.memory_space<semaphore_mem>>) src(%dma_wait3A_37 : memref<80xi32, #tpu.memory_space<hbm>>) dst(%arg8 : memref<80xi32, #tpu.memory_space<vmem>>)
    %dma_wait3A_38 = arith.constant 0 : i32
    %dma_wait3A_39 = arith.constant 0 : i32
    %dma_wait3A_40 = tpu.memref_slice %arg4[%add3A, %dma_wait3A_38, %dma_wait3A_39] : memref<32x125x80xi32, #tpu.memory_space<hbm>> -> memref<1x1x80xi32, #tpu.memory_space<hbm>>
    %dma_wait3A_41 = tpu.memref_squeeze %dma_wait3A_40 : memref<1x1x80xi32, #tpu.memory_space<hbm>> -> memref<80xi32, #tpu.memory_space<hbm>>
    %dma_wait3A_42 = arith.constant 0 : i32
    %dma_wait3A_43 = tpu.memref_slice %arg4[%add3A, %dma_wait3A_38, %dma_wait3A_42] : memref<32x125x80xi32, #tpu.memory_space<hbm>> -> memref<1x1x80xi32, #tpu.memory_space<hbm>>
    %dma_wait3A_44 = tpu.memref_squeeze %dma_wait3A_43 : memref<1x1x80xi32, #tpu.memory_space<hbm>> -> memref<80xi32, #tpu.memory_space<hbm>>
    tpu.wait_dma2 semaphore(%arg14 : memref<!tpu.dma_semaphore, #tpu.memory_space<semaphore_mem>>) src(%dma_wait3A_44 : memref<80xi32, #tpu.memory_space<hbm>>) dst(%arg9 : memref<80xi32, #tpu.memory_space<vmem>>)
    %dma_wait3A_45 = arith.constant 0 : i32
    %dma_wait3A_46 = arith.constant 0 : i32
    %dma_wait3A_47 = tpu.memref_slice %arg2[%dma_wait3A_45, %dma_wait3A_46] : memref<10000x128xf32, #tpu.memory_space<hbm>> -> memref<10000x128xf32, #tpu.memory_space<hbm>>
    tpu.wait_indirect_dma semaphore(%arg15 : memref<!tpu.dma_semaphore, #tpu.memory_space<semaphore_mem>>) src(%dma_wait3A_47 : memref<10000x128xf32, #tpu.memory_space<hbm>>) dst(%arg10 : memref<80x128xf32, #tpu.memory_space<vmem>>)
    "tpu.region"() ({
      %run_scoped3A_54 = tpu.sem_alloc : memref<!tpu.dma_semaphore, #tpu.memory_space<semaphore_mem>>
      %dma_start3A_55 = arith.constant 0 : i32
      %dma_start3A_56 = arith.constant 0 : i32
      %dma_start3A_57 = tpu.memref_slice %arg13[%dma_start3A_55, %dma_start3A_56] : memref<10240x128xf32, #tpu.memory_space<vmem_shared>> -> memref<10240x128xf32, #tpu.memory_space<vmem_shared>>
      tpu.enqueue_indirect_dma source(%arg10 : memref<80x128xf32, #tpu.memory_space<vmem>>) target(%dma_start3A_57 : memref<10240x128xf32, #tpu.memory_space<vmem_shared>>) offsets(%arg7 : memref<80xi32, #tpu.memory_space<vmem>>) semaphore(%run_scoped3A_54 : memref<!tpu.dma_semaphore, #tpu.memory_space<semaphore_mem>>) {add = true}
      %dma_wait3A_58 = arith.constant 0 : i32
      %dma_wait3A_59 = arith.constant 0 : i32
      %dma_wait3A_60 = tpu.memref_slice %arg13[%dma_wait3A_58, %dma_wait3A_59] : memref<10240x128xf32, #tpu.memory_space<vmem_shared>> -> memref<10240x128xf32, #tpu.memory_space<vmem_shared>>
      tpu.wait_indirect_dma semaphore(%run_scoped3A_54 : memref<!tpu.dma_semaphore, #tpu.memory_space<semaphore_mem>>) src(%arg10 : memref<80x128xf32, #tpu.memory_space<vmem>>) dst(%dma_wait3A_60 : memref<10240x128xf32, #tpu.memory_space<vmem_shared>>)
      tpu.yield
    }) : () -> ()
    %barrier3A_48 = arith.constant 0 : index
    tpu.barrier barrier_id(%barrier3A_48)
    %scan3A_49 = arith.constant 0 : i32
    %scan3A_50 = arith.constant 5 : i32
    %scan3A_51 = arith.addi %scan3A_49, %scan3A_50 : i32
    %scan3A_52 = arith.constant 1 : i32
    scf.for %scan3A_54 = %scan3A_49 to %scan3A_51 step %scan3A_52  : i32 {
      %mul3A_55 = arith.constant 1 : i32
      %mul3A_56 = arith.muli %scan3A_54, %mul3A_55 : i32
      %add3A_57 = arith.constant 0 : i32
      %add3A_58 = arith.addi %add3A_57, %mul3A_56 : i32
      %mul3A_59 = arith.constant 640 : i32
      %mul3A_60 = arith.muli %arg1, %mul3A_59 : i32
      %mul3A_61 = arith.constant 128 : i32
      %mul3A_62 = arith.muli %add3A_58, %mul3A_61 : i32
      %add3A_63 = arith.addi %mul3A_60, %mul3A_62 : i32
      %mul3A_64 = arith.constant 640 : i32
      %mul3A_65 = arith.muli %arg1, %mul3A_64 : i32
      %mul3A_66 = arith.constant 128 : i32
      %mul3A_67 = arith.muli %add3A_58, %mul3A_66 : i32
      %add3A_68 = arith.addi %mul3A_65, %mul3A_67 : i32
      "tpu.region"() ({
        %run_scoped3A_69 = tpu.sem_alloc : memref<!tpu.dma_semaphore, #tpu.memory_space<semaphore_mem>>
        %dma_start3A_70 = arith.constant 0 : i32
        %dma_start3A_71 = tpu.memref_slice %arg5[%arg0, %add3A_68, %dma_start3A_70] : memref<2x10240x128xf32, #tpu.memory_space<hbm>> -> memref<1x128x128xf32, #tpu.memory_space<hbm>>
        %dma_start3A_72 = tpu.memref_squeeze %dma_start3A_71 : memref<1x128x128xf32, #tpu.memory_space<hbm>> -> memref<128x128xf32, #tpu.memory_space<hbm>>
        %dma_start3A_73 = arith.constant 0 : i32
        %dma_start3A_74 = tpu.memref_slice %arg13[%add3A_63, %dma_start3A_73] : memref<10240x128xf32, #tpu.memory_space<vmem_shared>> -> memref<128x128xf32, #tpu.memory_space<vmem_shared>>
        tpu.enqueue_dma source(%dma_start3A_74 : memref<128x128xf32, #tpu.memory_space<vmem_shared>>) target(%dma_start3A_72 : memref<128x128xf32, #tpu.memory_space<hbm>>) target_semaphore(%run_scoped3A_69 : memref<!tpu.dma_semaphore, #tpu.memory_space<semaphore_mem>>)
        %dma_wait3A_75 = arith.constant 0 : i32
        %dma_wait3A_76 = tpu.memref_slice %arg5[%arg0, %add3A_68, %dma_wait3A_75] : memref<2x10240x128xf32, #tpu.memory_space<hbm>> -> memref<1x128x128xf32, #tpu.memory_space<hbm>>
        %dma_wait3A_77 = tpu.memref_squeeze %dma_wait3A_76 : memref<1x128x128xf32, #tpu.memory_space<hbm>> -> memref<128x128xf32, #tpu.memory_space<hbm>>
        %dma_wait3A_78 = arith.constant 0 : i32
        %dma_wait3A_79 = tpu.memref_slice %arg13[%add3A_63, %dma_wait3A_78] : memref<10240x128xf32, #tpu.memory_space<vmem_shared>> -> memref<128x128xf32, #tpu.memory_space<vmem_shared>>
        tpu.wait_dma2 semaphore(%run_scoped3A_69 : memref<!tpu.dma_semaphore, #tpu.memory_space<semaphore_mem>>) src(%dma_wait3A_79 : memref<128x128xf32, #tpu.memory_space<vmem_shared>>) dst(%dma_wait3A_77 : memref<128x128xf32, #tpu.memory_space<hbm>>)
        tpu.yield
      }) : () -> ()
    }
    %scan3A_53 = arith.constant 5 : i32
    return
  }
}

#map = affine_map<(d0, d1) -> (0, 0, 0)>
#map1 = affine_map<(d0, d1) -> (0, 0)>
module attributes {stable_mosaic.version = 14 : i64} {
  func.func @_deg_body(%arg0: i32, %arg1: i32, %arg2: memref<32x125x80xi32, #tpu.memory_space<hbm>>, %arg3: memref<2x10240xf32, #tpu.memory_space<hbm>>, %arg4: memref<80xf32, #tpu.memory_space<vmem>>, %arg5: memref<80xi32, #tpu.memory_space<vmem>>, %arg6: memref<640xf32, #tpu.memory_space<vmem>>, %arg7: memref<10240xf32, #tpu.memory_space<vmem_shared>>, %arg8: memref<!tpu.dma_semaphore, #tpu.memory_space<semaphore_mem>>) attributes {dimension_semantics = [#tpu.dimension_semantics<core_parallel>, #tpu.dimension_semantics<subcore_parallel>], iteration_bounds = array<i64: 2, 16>, scalar_prefetch = 0 : i64, scratch_operands = 5 : i64, tpu.core_type = #tpu.core_type<sc_vector_subcore>, window_params = [{transform_indices = #map}, {transform_indices = #map1}]} {
    %mul3A = arith.constant 16 : i32
    %mul3A_0 = arith.muli %arg0, %mul3A : i32
    %add3A = arith.addi %mul3A_0, %arg1 : i32
    %scan3A = arith.constant 0 : i32
    %scan3A_1 = arith.constant 5 : i32
    %scan3A_2 = arith.addi %scan3A, %scan3A_1 : i32
    %scan3A_3 = arith.constant 1 : i32
    scf.for %scan3A_22 = %scan3A to %scan3A_2 step %scan3A_3  : i32 {
      %mul3A_23 = arith.constant 16 : i32
      %mul3A_24 = arith.muli %scan3A_22, %mul3A_23 : i32
      %add3A_25 = arith.constant 0 : i32
      %add3A_26 = arith.addi %add3A_25, %mul3A_24 : i32
      %broadcast_in_dim3A = arith.constant 1.000000e+00 : f32
      %broadcast_in_dim3A_27 = vector.broadcast %broadcast_in_dim3A : f32 to vector<16xf32>
      %swap3A = arith.index_cast %add3A_26 : i32 to index
      %swap3A_28 = tpu.vector_load %arg4[%swap3A] {strides = array<i32>} : memref<80xf32, #tpu.memory_space<vmem>>, vector<16xf32>,
      %swap3A_29 = vector.shape_cast %swap3A_28 : vector<16xf32> to vector<16xf32>
      %swap3A_30 = vector.shape_cast %broadcast_in_dim3A_27 : vector<16xf32> to vector<16xf32>
      tpu.vector_store %arg4[%swap3A], %swap3A_30 {strides = array<i32>} : memref<80xf32, #tpu.memory_space<vmem>>, vector<16xf32>,
    }
    %scan3A_4 = arith.constant 5 : i32
    %scan3A_5 = arith.constant 0 : i32
    %scan3A_6 = arith.constant 40 : i32
    %scan3A_7 = arith.addi %scan3A_5, %scan3A_6 : i32
    %scan3A_8 = arith.constant 1 : i32
    scf.for %scan3A_22 = %scan3A_5 to %scan3A_7 step %scan3A_8  : i32 {
      %mul3A_23 = arith.constant 16 : i32
      %mul3A_24 = arith.muli %scan3A_22, %mul3A_23 : i32
      %add3A_25 = arith.constant 0 : i32
      %add3A_26 = arith.addi %add3A_25, %mul3A_24 : i32
      %broadcast_in_dim3A = arith.constant 0.000000e+00 : f32
      %broadcast_in_dim3A_27 = vector.broadcast %broadcast_in_dim3A : f32 to vector<16xf32>
      %swap3A = arith.index_cast %add3A_26 : i32 to index
      %swap3A_28 = tpu.vector_load %arg6[%swap3A] {strides = array<i32>} : memref<640xf32, #tpu.memory_space<vmem>>, vector<16xf32>,
      %swap3A_29 = vector.shape_cast %swap3A_28 : vector<16xf32> to vector<16xf32>
      %swap3A_30 = vector.shape_cast %broadcast_in_dim3A_27 : vector<16xf32> to vector<16xf32>
      tpu.vector_store %arg6[%swap3A], %swap3A_30 {strides = array<i32>} : memref<640xf32, #tpu.memory_space<vmem>>, vector<16xf32>,
    }
    %scan3A_9 = arith.constant 40 : i32
    %mul3A_10 = arith.constant 640 : i32
    %mul3A_11 = arith.muli %arg1, %mul3A_10 : i32
    "tpu.region"() ({
      %run_scoped3A = tpu.sem_alloc : memref<!tpu.dma_semaphore, #tpu.memory_space<semaphore_mem>>
      %dma_start3A = tpu.memref_slice %arg7[%mul3A_11] : memref<10240xf32, #tpu.memory_space<vmem_shared>> -> memref<640xf32, #tpu.memory_space<vmem_shared>>
      %dma_start3A_22 = tpu.memref_slice %arg7[%mul3A_11] : memref<10240xf32, #tpu.memory_space<vmem_shared>> -> memref<640xf32, #tpu.memory_space<vmem_shared>>
      tpu.enqueue_dma source(%arg6 : memref<640xf32, #tpu.memory_space<vmem>>) target(%dma_start3A_22 : memref<640xf32, #tpu.memory_space<vmem_shared>>) target_semaphore(%run_scoped3A : memref<!tpu.dma_semaphore, #tpu.memory_space<semaphore_mem>>)
      %dma_wait3A = tpu.memref_slice %arg7[%mul3A_11] : memref<10240xf32, #tpu.memory_space<vmem_shared>> -> memref<640xf32, #tpu.memory_space<vmem_shared>>
      %dma_wait3A_23 = tpu.memref_slice %arg7[%mul3A_11] : memref<10240xf32, #tpu.memory_space<vmem_shared>> -> memref<640xf32, #tpu.memory_space<vmem_shared>>
      tpu.wait_dma2 semaphore(%run_scoped3A : memref<!tpu.dma_semaphore, #tpu.memory_space<semaphore_mem>>) src(%arg6 : memref<640xf32, #tpu.memory_space<vmem>>) dst(%dma_wait3A_23 : memref<640xf32, #tpu.memory_space<vmem_shared>>)
      tpu.yield
    }) : () -> ()
    %barrier3A = arith.constant 0 : index
    tpu.barrier barrier_id(%barrier3A)
    %scan3A_12 = arith.constant 0 : i32
    %scan3A_13 = arith.constant 125 : i32
    %scan3A_14 = arith.addi %scan3A_12, %scan3A_13 : i32
    %scan3A_15 = arith.constant 1 : i32
    scf.for %scan3A_22 = %scan3A_12 to %scan3A_14 step %scan3A_15  : i32 {
      %mul3A_23 = arith.constant 1 : i32
      %mul3A_24 = arith.muli %scan3A_22, %mul3A_23 : i32
      %add3A_25 = arith.constant 0 : i32
      %add3A_26 = arith.addi %add3A_25, %mul3A_24 : i32
      "tpu.region"() ({
        %run_scoped3A = tpu.sem_alloc : memref<!tpu.dma_semaphore, #tpu.memory_space<semaphore_mem>>
        %dma_start3A = arith.constant 0 : i32
        %dma_start3A_27 = tpu.memref_slice %arg2[%add3A, %add3A_26, %dma_start3A] : memref<32x125x80xi32, #tpu.memory_space<hbm>> -> memref<1x1x80xi32, #tpu.memory_space<hbm>>
        %dma_start3A_28 = tpu.memref_squeeze %dma_start3A_27 : memref<1x1x80xi32, #tpu.memory_space<hbm>> -> memref<80xi32, #tpu.memory_space<hbm>>
        %dma_start3A_29 = arith.constant 0 : i32
        %dma_start3A_30 = tpu.memref_slice %arg2[%add3A, %add3A_26, %dma_start3A_29] : memref<32x125x80xi32, #tpu.memory_space<hbm>> -> memref<1x1x80xi32, #tpu.memory_space<hbm>>
        %dma_start3A_31 = tpu.memref_squeeze %dma_start3A_30 : memref<1x1x80xi32, #tpu.memory_space<hbm>> -> memref<80xi32, #tpu.memory_space<hbm>>
        tpu.enqueue_dma source(%dma_start3A_31 : memref<80xi32, #tpu.memory_space<hbm>>) target(%arg5 : memref<80xi32, #tpu.memory_space<vmem>>) target_semaphore(%run_scoped3A : memref<!tpu.dma_semaphore, #tpu.memory_space<semaphore_mem>>)
        %dma_wait3A = arith.constant 0 : i32
        %dma_wait3A_32 = tpu.memref_slice %arg2[%add3A, %add3A_26, %dma_wait3A] : memref<32x125x80xi32, #tpu.memory_space<hbm>> -> memref<1x1x80xi32, #tpu.memory_space<hbm>>
        %dma_wait3A_33 = tpu.memref_squeeze %dma_wait3A_32 : memref<1x1x80xi32, #tpu.memory_space<hbm>> -> memref<80xi32, #tpu.memory_space<hbm>>
        %dma_wait3A_34 = arith.constant 0 : i32
        %dma_wait3A_35 = tpu.memref_slice %arg2[%add3A, %add3A_26, %dma_wait3A_34] : memref<32x125x80xi32, #tpu.memory_space<hbm>> -> memref<1x1x80xi32, #tpu.memory_space<hbm>>
        %dma_wait3A_36 = tpu.memref_squeeze %dma_wait3A_35 : memref<1x1x80xi32, #tpu.memory_space<hbm>> -> memref<80xi32, #tpu.memory_space<hbm>>
        tpu.wait_dma2 semaphore(%run_scoped3A : memref<!tpu.dma_semaphore, #tpu.memory_space<semaphore_mem>>) src(%dma_wait3A_36 : memref<80xi32, #tpu.memory_space<hbm>>) dst(%arg5 : memref<80xi32, #tpu.memory_space<vmem>>)
        tpu.yield
      }) : () -> ()
      "tpu.region"() ({
        %run_scoped3A = tpu.sem_alloc : memref<!tpu.dma_semaphore, #tpu.memory_space<semaphore_mem>>
        %dma_start3A = arith.constant 0 : i32
        %dma_start3A_27 = tpu.memref_slice %arg7[%dma_start3A] : memref<10240xf32, #tpu.memory_space<vmem_shared>> -> memref<10240xf32, #tpu.memory_space<vmem_shared>>
        tpu.enqueue_indirect_dma source(%arg4 : memref<80xf32, #tpu.memory_space<vmem>>) target(%dma_start3A_27 : memref<10240xf32, #tpu.memory_space<vmem_shared>>) offsets(%arg5 : memref<80xi32, #tpu.memory_space<vmem>>) semaphore(%run_scoped3A : memref<!tpu.dma_semaphore, #tpu.memory_space<semaphore_mem>>) {add = true}
        %dma_wait3A = arith.constant 0 : i32
        %dma_wait3A_28 = tpu.memref_slice %arg7[%dma_wait3A] : memref<10240xf32, #tpu.memory_space<vmem_shared>> -> memref<10240xf32, #tpu.memory_space<vmem_shared>>
        tpu.wait_indirect_dma semaphore(%run_scoped3A : memref<!tpu.dma_semaphore, #tpu.memory_space<semaphore_mem>>) src(%arg4 : memref<80xf32, #tpu.memory_space<vmem>>) dst(%dma_wait3A_28 : memref<10240xf32, #tpu.memory_space<vmem_shared>>)
        tpu.yield
      }) : () -> ()
    }
    %scan3A_16 = arith.constant 125 : i32
    %barrier3A_17 = arith.constant 0 : index
    tpu.barrier barrier_id(%barrier3A_17)
    %mul3A_18 = arith.constant 640 : i32
    %mul3A_19 = arith.muli %arg1, %mul3A_18 : i32
    %mul3A_20 = arith.constant 640 : i32
    %mul3A_21 = arith.muli %arg1, %mul3A_20 : i32
    "tpu.region"() ({
      %run_scoped3A = tpu.sem_alloc : memref<!tpu.dma_semaphore, #tpu.memory_space<semaphore_mem>>
      %dma_start3A = tpu.memref_slice %arg3[%arg0, %mul3A_21] : memref<2x10240xf32, #tpu.memory_space<hbm>> -> memref<1x640xf32, #tpu.memory_space<hbm>>
      %dma_start3A_22 = tpu.memref_squeeze %dma_start3A : memref<1x640xf32, #tpu.memory_space<hbm>> -> memref<640xf32, #tpu.memory_space<hbm>>
      %dma_start3A_23 = tpu.memref_slice %arg7[%mul3A_19] : memref<10240xf32, #tpu.memory_space<vmem_shared>> -> memref<640xf32, #tpu.memory_space<vmem_shared>>
      tpu.enqueue_dma source(%dma_start3A_23 : memref<640xf32, #tpu.memory_space<vmem_shared>>) target(%dma_start3A_22 : memref<640xf32, #tpu.memory_space<hbm>>) target_semaphore(%run_scoped3A : memref<!tpu.dma_semaphore, #tpu.memory_space<semaphore_mem>>)
      %dma_wait3A = tpu.memref_slice %arg3[%arg0, %mul3A_21] : memref<2x10240xf32, #tpu.memory_space<hbm>> -> memref<1x640xf32, #tpu.memory_space<hbm>>
      %dma_wait3A_24 = tpu.memref_squeeze %dma_wait3A : memref<1x640xf32, #tpu.memory_space<hbm>> -> memref<640xf32, #tpu.memory_space<hbm>>
      %dma_wait3A_25 = tpu.memref_slice %arg7[%mul3A_19] : memref<10240xf32, #tpu.memory_space<vmem_shared>> -> memref<640xf32, #tpu.memory_space<vmem_shared>>
      tpu.wait_dma2 semaphore(%run_scoped3A : memref<!tpu.dma_semaphore, #tpu.memory_space<semaphore_mem>>) src(%dma_wait3A_25 : memref<640xf32, #tpu.memory_space<vmem_shared>>) dst(%dma_wait3A_24 : memref<640xf32, #tpu.memory_space<hbm>>)
      tpu.yield
    }) : () -> ()
    return
  }
}

module attributes {stable_mosaic.version = 14 : i64} {
  func.func @_xw_body(%arg0: i32, %arg1: memref<2000x128xf32, #tpu.memory_space<vmem>>, %arg2: memref<128x128xf32, #tpu.memory_space<vmem>>, %arg3: memref<2000x128xf32, #tpu.memory_space<vmem>>) attributes {dimension_semantics = [#tpu.dimension_semantics<arbitrary>], iteration_bounds = array<i64: 5>, scalar_prefetch = 0 : i64, scratch_operands = 0 : i64, tpu.core_type = #tpu.core_type<tc>, window_params = [{transform_indices = @transform_0, window_bounds = array<i64: 2000, 128>}, {pipeline_mode = #tpu.pipeline_mode<synchronous>, transform_indices = @transform_1, window_bounds = array<i64: 128, 128>}, {transform_indices = @transform_2, window_bounds = array<i64: 2000, 128>}]} {
    %get3A = arith.constant 0 : index
    %get3A_0 = arith.constant 0 : index
    %get3A_1 = vector.load %arg1[%get3A, %get3A_0] : memref<2000x128xf32, #tpu.memory_space<vmem>>, vector<2000x128xf32>
    %get3A_2 = arith.constant 0 : index
    %get3A_3 = arith.constant 0 : index
    %get3A_4 = vector.load %arg2[%get3A_2, %get3A_3] : memref<128x128xf32, #tpu.memory_space<vmem>>, vector<128x128xf32>
    %dot_general3A = arith.constant dense<0.000000e+00> : vector<2000x128xf32>
    %dot_general3A_5 = tpu.matmul %get3A_1, %get3A_4, %dot_general3A {dimension_numbers = #tpu.dot_dimension_numbers<[1], [0], [0], [1], [0, 0, 1, 1], [], []>, transpose_lhs_hint = false} : vector<2000x128xf32>, vector<128x128xf32>, vector<2000x128xf32> -> vector<2000x128xf32>
    %swap3A = arith.constant 0 : index
    %swap3A_6 = arith.constant 0 : index
    %swap3A_7 = vector.load %arg3[%swap3A, %swap3A_6] : memref<2000x128xf32, #tpu.memory_space<vmem>>, vector<2000x128xf32>
    tpu.vector_store %arg3[%swap3A, %swap3A_6], %dot_general3A_5 {strides = array<i32>} : memref<2000x128xf32, #tpu.memory_space<vmem>>, vector<2000x128xf32>,
    return
  }
  func.func @transform_0(%arg0: i32) -> (i32, i32) {
    %c0_i32 = arith.constant 0 : i32
    %c0_i32_0 = arith.constant 0 : i32
    return %arg0, %c0_i32 : i32, i32
  }
  func.func @transform_1(%arg0: i32) -> (i32, i32) {
    %c0_i32 = arith.constant 0 : i32
    %c0_i32_0 = arith.constant 0 : i32
    %c0_i32_1 = arith.constant 0 : i32
    return %c0_i32, %c0_i32_0 : i32, i32
  }
  func.func @transform_2(%arg0: i32) -> (i32, i32) {
    %c0_i32 = arith.constant 0 : i32
    %c0_i32_0 = arith.constant 0 : i32
    return %arg0, %c0_i32 : i32, i32
  }
}

module attributes {stable_mosaic.version = 14 : i64} {
  func.func @_scale_body(%arg0: i32, %arg1: memref<1000x1xf32, #tpu.memory_space<vmem>>, %arg2: memref<1000x1xf32, #tpu.memory_space<vmem>>, %arg3: memref<1000x128xf32, #tpu.memory_space<vmem>>, %arg4: memref<1000x128xf32, #tpu.memory_space<vmem>>, %arg5: memref<1000x1xf32, #tpu.memory_space<vmem>>) attributes {dimension_semantics = [#tpu.dimension_semantics<arbitrary>], iteration_bounds = array<i64: 10>, scalar_prefetch = 0 : i64, scratch_operands = 0 : i64, tpu.core_type = #tpu.core_type<tc>, window_params = [{transform_indices = @transform_0, window_bounds = array<i64: 1000, 1>}, {transform_indices = @transform_1, window_bounds = array<i64: 1000, 1>}, {transform_indices = @transform_2, window_bounds = array<i64: 1000, 128>}, {transform_indices = @transform_3, window_bounds = array<i64: 1000, 128>}, {transform_indices = @transform_4, window_bounds = array<i64: 1000, 1>}]} {
    %get3A = arith.constant 0 : index
    %get3A_0 = arith.constant 0 : index
    %get3A_1 = vector.load %arg1[%get3A, %get3A_0] : memref<1000x1xf32, #tpu.memory_space<vmem>>, vector<1000x1xf32>
    %add3A = arith.constant 1.000000e+00 : f32
    %add3A_2 = vector.broadcast %add3A : f32 to vector<1000x1xf32>
    %add3A_3 = arith.addf %add3A_2, %get3A_1 : vector<1000x1xf32>
    %get3A_4 = arith.constant 0 : index
    %get3A_5 = arith.constant 0 : index
    %get3A_6 = vector.load %arg2[%get3A_4, %get3A_5] : memref<1000x1xf32, #tpu.memory_space<vmem>>, vector<1000x1xf32>
    %add3A_7 = arith.addf %add3A_3, %get3A_6 : vector<1000x1xf32>
    %max3A = arith.constant 1.000000e+00 : f32
    %max3A_8 = vector.broadcast %max3A : f32 to vector<1000x1xf32>
    %max3A_9 = arith.maximumf %add3A_7, %max3A_8 : vector<1000x1xf32>
    %rsqrt3A = math.rsqrt %max3A_9 : vector<1000x1xf32>
    %swap3A = arith.constant 0 : index
    %swap3A_10 = arith.constant 0 : index
    %swap3A_11 = vector.load %arg5[%swap3A, %swap3A_10] : memref<1000x1xf32, #tpu.memory_space<vmem>>, vector<1000x1xf32>
    tpu.vector_store %arg5[%swap3A, %swap3A_10], %rsqrt3A {strides = array<i32>} : memref<1000x1xf32, #tpu.memory_space<vmem>>, vector<1000x1xf32>,
    %get3A_12 = arith.constant 0 : index
    %get3A_13 = arith.constant 0 : index
    %get3A_14 = vector.load %arg3[%get3A_12, %get3A_13] : memref<1000x128xf32, #tpu.memory_space<vmem>>, vector<1000x128xf32>
    %mul3A = vector.broadcast %rsqrt3A : vector<1000x1xf32> to vector<1000x128xf32>
    %mul3A_15 = arith.mulf %get3A_14, %mul3A : vector<1000x128xf32>
    %swap3A_16 = arith.constant 0 : index
    %swap3A_17 = arith.constant 0 : index
    %swap3A_18 = vector.load %arg4[%swap3A_16, %swap3A_17] : memref<1000x128xf32, #tpu.memory_space<vmem>>, vector<1000x128xf32>
    tpu.vector_store %arg4[%swap3A_16, %swap3A_17], %mul3A_15 {strides = array<i32>} : memref<1000x128xf32, #tpu.memory_space<vmem>>, vector<1000x128xf32>,
    return
  }
  func.func @transform_0(%arg0: i32) -> (i32, i32) {
    %c0_i32 = arith.constant 0 : i32
    %c0_i32_0 = arith.constant 0 : i32
    return %arg0, %c0_i32 : i32, i32
  }
  func.func @transform_1(%arg0: i32) -> (i32, i32) {
    %c0_i32 = arith.constant 0 : i32
    %c0_i32_0 = arith.constant 0 : i32
    return %arg0, %c0_i32 : i32, i32
  }
  func.func @transform_2(%arg0: i32) -> (i32, i32) {
    %c0_i32 = arith.constant 0 : i32
    %c0_i32_0 = arith.constant 0 : i32
    return %arg0, %c0_i32 : i32, i32
  }
  func.func @transform_3(%arg0: i32) -> (i32, i32) {
    %c0_i32 = arith.constant 0 : i32
    %c0_i32_0 = arith.constant 0 : i32
    return %arg0, %c0_i32 : i32, i32
  }
  func.func @transform_4(%arg0: i32) -> (i32, i32) {
    %c0_i32 = arith.constant 0 : i32
    %c0_i32_0 = arith.constant 0 : i32
    return %arg0, %c0_i32 : i32, i32
  }
}

module attributes {stable_mosaic.version = 14 : i64} {
  func.func @_fin_body(%arg0: i32, %arg1: memref<1000x128xf32, #tpu.memory_space<vmem>>, %arg2: memref<1000x128xf32, #tpu.memory_space<vmem>>, %arg3: memref<1000x128xf32, #tpu.memory_space<vmem>>, %arg4: memref<1000x1xf32, #tpu.memory_space<vmem>>, %arg5: memref<1x128xf32, #tpu.memory_space<vmem>>, %arg6: memref<1000x128xf32, #tpu.memory_space<vmem>>) attributes {dimension_semantics = [#tpu.dimension_semantics<arbitrary>], iteration_bounds = array<i64: 10>, scalar_prefetch = 0 : i64, scratch_operands = 0 : i64, tpu.core_type = #tpu.core_type<tc>, window_params = [{transform_indices = @transform_0, window_bounds = array<i64: 1000, 128>}, {transform_indices = @transform_1, window_bounds = array<i64: 1000, 128>}, {transform_indices = @transform_2, window_bounds = array<i64: 1000, 128>}, {transform_indices = @transform_3, window_bounds = array<i64: 1000, 1>}, {pipeline_mode = #tpu.pipeline_mode<synchronous>, transform_indices = @transform_4, window_bounds = array<i64: 1, 128>}, {transform_indices = @transform_5, window_bounds = array<i64: 1000, 128>}]} {
    %get3A = arith.constant 0 : index
    %get3A_0 = arith.constant 0 : index
    %get3A_1 = vector.load %arg4[%get3A, %get3A_0] : memref<1000x1xf32, #tpu.memory_space<vmem>>, vector<1000x1xf32>
    %get3A_2 = arith.constant 0 : index
    %get3A_3 = arith.constant 0 : index
    %get3A_4 = vector.load %arg1[%get3A_2, %get3A_3] : memref<1000x128xf32, #tpu.memory_space<vmem>>, vector<1000x128xf32>
    %get3A_5 = arith.constant 0 : index
    %get3A_6 = arith.constant 0 : index
    %get3A_7 = vector.load %arg2[%get3A_5, %get3A_6] : memref<1000x128xf32, #tpu.memory_space<vmem>>, vector<1000x128xf32>
    %add3A = arith.addf %get3A_4, %get3A_7 : vector<1000x128xf32>
    %get3A_8 = arith.constant 0 : index
    %get3A_9 = arith.constant 0 : index
    %get3A_10 = vector.load %arg3[%get3A_8, %get3A_9] : memref<1000x128xf32, #tpu.memory_space<vmem>>, vector<1000x128xf32>
    %add3A_11 = arith.addf %add3A, %get3A_10 : vector<1000x128xf32>
    %mul3A = vector.broadcast %get3A_1 : vector<1000x1xf32> to vector<1000x128xf32>
    %mul3A_12 = arith.mulf %mul3A, %add3A_11 : vector<1000x128xf32>
    %get3A_13 = arith.constant 0 : index
    %get3A_14 = arith.constant 0 : index
    %get3A_15 = vector.load %arg5[%get3A_13, %get3A_14] : memref<1x128xf32, #tpu.memory_space<vmem>>, vector<1x128xf32>
    %add3A_16 = vector.broadcast %get3A_15 : vector<1x128xf32> to vector<1000x128xf32>
    %add3A_17 = arith.addf %mul3A_12, %add3A_16 : vector<1000x128xf32>
    %max3A = arith.constant 0.000000e+00 : f32
    %max3A_18 = vector.broadcast %max3A : f32 to vector<1000x128xf32>
    %max3A_19 = arith.maximumf %add3A_17, %max3A_18 : vector<1000x128xf32>
    %swap3A = arith.constant 0 : index
    %swap3A_20 = arith.constant 0 : index
    %swap3A_21 = vector.load %arg6[%swap3A, %swap3A_20] : memref<1000x128xf32, #tpu.memory_space<vmem>>, vector<1000x128xf32>
    tpu.vector_store %arg6[%swap3A, %swap3A_20], %max3A_19 {strides = array<i32>} : memref<1000x128xf32, #tpu.memory_space<vmem>>, vector<1000x128xf32>,
    return
  }
  func.func @transform_0(%arg0: i32) -> (i32, i32) {
    %c0_i32 = arith.constant 0 : i32
    %c0_i32_0 = arith.constant 0 : i32
    return %arg0, %c0_i32 : i32, i32
  }
  func.func @transform_1(%arg0: i32) -> (i32, i32) {
    %c0_i32 = arith.constant 0 : i32
    %c0_i32_0 = arith.constant 0 : i32
    return %arg0, %c0_i32 : i32, i32
  }
  func.func @transform_2(%arg0: i32) -> (i32, i32) {
    %c0_i32 = arith.constant 0 : i32
    %c0_i32_0 = arith.constant 0 : i32
    return %arg0, %c0_i32 : i32, i32
  }
  func.func @transform_3(%arg0: i32) -> (i32, i32) {
    %c0_i32 = arith.constant 0 : i32
    %c0_i32_0 = arith.constant 0 : i32
    return %arg0, %c0_i32 : i32, i32
  }
  func.func @transform_4(%arg0: i32) -> (i32, i32) {
    %c0_i32 = arith.constant 0 : i32
    %c0_i32_0 = arith.constant 0 : i32
    %c0_i32_1 = arith.constant 0 : i32
    return %c0_i32, %c0_i32_0 : i32, i32
  }
  func.func @transform_5(%arg0: i32) -> (i32, i32) {
    %c0_i32 = arith.constant 0 : i32
    %c0_i32_0 = arith.constant 0 : i32
    return %arg0, %c0_i32 : i32, i32
  }
}

module attributes {stable_mosaic.version = 14 : i64} {
  func.func @_gru_body(%arg0: memref<10240x128xf32, #tpu.memory_space<vmem>>, %arg1: memref<128x384xf32, #tpu.memory_space<vmem>>, %arg2: memref<1x384xf32, #tpu.memory_space<vmem>>, %arg3: memref<128x384xbf16, #tpu.memory_space<vmem>>, %arg4: memref<1x384xf32, #tpu.memory_space<vmem>>, %arg5: memref<128x384xf32, #tpu.memory_space<vmem>>, %arg6: memref<1x384xf32, #tpu.memory_space<vmem>>, %arg7: memref<128x384xbf16, #tpu.memory_space<vmem>>, %arg8: memref<1x384xf32, #tpu.memory_space<vmem>>, %arg9: memref<128x16xf32, #tpu.memory_space<vmem>>, %arg10: memref<1x16xf32, #tpu.memory_space<vmem>>, %arg11: memref<10240x16xf32, #tpu.memory_space<vmem>>, %arg12: memref<128x80x128xf32, #tpu.memory_space<vmem>>, %arg13: memref<128x80x384xf32, #tpu.memory_space<vmem>>, %arg14: memref<128x80x128xf32, #tpu.memory_space<vmem>>) attributes {dimension_semantics = [], scalar_prefetch = 0 : i64, scratch_operands = 3 : i64, tpu.core_type = #tpu.core_type<tc>} {
    %scan3A = arith.constant 0 : i32
    %scan3A_0 = arith.constant 80 : i32
    %scan3A_1 = arith.addi %scan3A, %scan3A_0 : i32
    %scan3A_2 = arith.constant 1 : i32
    scf.for %scan3A_66 = %scan3A to %scan3A_1 step %scan3A_2  : i32 {
      %mul3A = arith.constant 128 : i32
      %mul3A_67 = arith.muli %scan3A_66, %mul3A : i32
      %multiple_of3A = tpu.assume_multiple %mul3A_67, 8 : i32
      %get3A_68 = arith.index_cast %multiple_of3A : i32 to index
      %get3A_69 = arith.constant 0 : index
      %get3A_70 = vector.load %arg0[%get3A_68, %get3A_69] : memref<10240x128xf32, #tpu.memory_space<vmem>>, vector<128x128xf32>
      %reshape3A = vector.shape_cast %get3A_70 : vector<128x128xf32> to vector<128x1x128xf32>
      %swap3A = arith.constant 0 : index
      %swap3A_71 = arith.index_cast %scan3A_66 : i32 to index
      %swap3A_72 = arith.constant 0 : index
      %swap3A_73 = vector.load %arg12[%swap3A, %swap3A_71, %swap3A_72] : memref<128x80x128xf32, #tpu.memory_space<vmem>>, vector<128x1x128xf32>
      tpu.vector_store %arg12[%swap3A, %swap3A_71, %swap3A_72], %reshape3A {strides = array<i32>} : memref<128x80x128xf32, #tpu.memory_space<vmem>>, vector<128x1x128xf32>,
    }
    %scan3A_3 = arith.constant 80 : i32
    %get3A = arith.constant 0 : index
    %get3A_4 = arith.constant 0 : index
    %get3A_5 = vector.load %arg2[%get3A, %get3A_4] : memref<1x384xf32, #tpu.memory_space<vmem>>, vector<1x384xf32>
    %scan3A_6 = arith.constant 0 : i32
    %scan3A_7 = arith.constant 128 : i32
    %scan3A_8 = arith.addi %scan3A_6, %scan3A_7 : i32
    %scan3A_9 = arith.constant 1 : i32
    scf.for %scan3A_66 = %scan3A_6 to %scan3A_8 step %scan3A_9  : i32 {
      %get3A_67 = arith.index_cast %scan3A_66 : i32 to index
      %get3A_68 = arith.constant 0 : index
      %get3A_69 = arith.constant 0 : index
      %get3A_70 = vector.load %arg12[%get3A_67, %get3A_68, %get3A_69] : memref<128x80x128xf32, #tpu.memory_space<vmem>>, vector<1x80x128xf32>
      %reshape3A = vector.shape_cast %get3A_70 : vector<1x80x128xf32> to vector<80x128xf32>
      %get3A_71 = arith.constant 0 : index
      %get3A_72 = arith.constant 0 : index
      %get3A_73 = vector.load %arg1[%get3A_71, %get3A_72] : memref<128x384xf32, #tpu.memory_space<vmem>>, vector<128x384xf32>
      %dot_general3A = arith.constant dense<0.000000e+00> : vector<80x384xf32>
      %dot_general3A_74 = tpu.matmul %reshape3A, %get3A_73, %dot_general3A {dimension_numbers = #tpu.dot_dimension_numbers<[1], [0], [0], [1], [0, 0, 1, 1], [], []>, transpose_lhs_hint = false} : vector<80x128xf32>, vector<128x384xf32>, vector<80x384xf32> -> vector<80x384xf32>
      %add3A = vector.broadcast %get3A_5 : vector<1x384xf32> to vector<80x384xf32>
      %add3A_75 = arith.addf %dot_general3A_74, %add3A : vector<80x384xf32>
      %reshape3A_76 = vector.shape_cast %add3A_75 : vector<80x384xf32> to vector<1x80x384xf32>
      %swap3A = arith.index_cast %scan3A_66 : i32 to index
      %swap3A_77 = arith.constant 0 : index
      %swap3A_78 = arith.constant 0 : index
      %swap3A_79 = vector.load %arg13[%swap3A, %swap3A_77, %swap3A_78] : memref<128x80x384xf32, #tpu.memory_space<vmem>>, vector<1x80x384xf32>
      tpu.vector_store %arg13[%swap3A, %swap3A_77, %swap3A_78], %reshape3A_76 {strides = array<i32>} : memref<128x80x384xf32, #tpu.memory_space<vmem>>, vector<1x80x384xf32>,
    }
    %scan3A_10 = arith.constant 128 : i32
    %get3A_11 = arith.constant 0 : index
    %get3A_12 = arith.constant 0 : index
    %get3A_13 = vector.load %arg4[%get3A_11, %get3A_12] : memref<1x384xf32, #tpu.memory_space<vmem>>, vector<1x384xf32>
    %broadcast_in_dim3A = arith.constant 0.000000e+00 : f32
    %broadcast_in_dim3A_14 = vector.broadcast %broadcast_in_dim3A : f32 to vector<80x128xf32>
    %scan3A_15 = arith.constant 0 : i32
    %scan3A_16 = arith.constant 64 : i32
    %scan3A_17 = arith.addi %scan3A_15, %scan3A_16 : i32
    %scan3A_18 = arith.constant 1 : i32
    %scan3A_19 = scf.for %scan3A_66 = %scan3A_15 to %scan3A_17 step %scan3A_18 iter_args(%scan3A_67 = %broadcast_in_dim3A_14) -> (vector<80x128xf32>)  : i32 {
      %add3A = arith.constant 64 : i32
      %add3A_68 = arith.addi %add3A, %scan3A_66 : i32
      %get3A_69 = arith.index_cast %add3A_68 : i32 to index
      %get3A_70 = arith.constant 0 : index
      %get3A_71 = arith.constant 0 : index
      %get3A_72 = vector.load %arg13[%get3A_69, %get3A_70, %get3A_71] : memref<128x80x384xf32, #tpu.memory_space<vmem>>, vector<1x80x384xf32>
      %reshape3A = vector.shape_cast %get3A_72 : vector<1x80x384xf32> to vector<80x384xf32>
      %convert_element_type3A = arith.truncf %scan3A_67 : vector<80x128xf32> to vector<80x128xbf16>
      %get3A_73 = arith.constant 0 : index
      %get3A_74 = arith.constant 0 : index
      %get3A_75 = vector.load %arg3[%get3A_73, %get3A_74] : memref<128x384xbf16, #tpu.memory_space<vmem>>, vector<128x384xbf16>
      %dot_general3A = arith.constant dense<0.000000e+00> : vector<80x384xf32>
      %dot_general3A_76 = tpu.matmul %convert_element_type3A, %get3A_75, %dot_general3A {dimension_numbers = #tpu.dot_dimension_numbers<[1], [0], [0], [1], [0, 0, 1, 1], [], []>, transpose_lhs_hint = false} : vector<80x128xbf16>, vector<128x384xbf16>, vector<80x384xf32> -> vector<80x384xf32>
      %add3A_77 = vector.broadcast %get3A_13 : vector<1x384xf32> to vector<80x384xf32>
      %add3A_78 = arith.addf %dot_general3A_76, %add3A_77 : vector<80x384xf32>
      %slice3A_79 = vector.extract_strided_slice %reshape3A {offsets = [0, 0], sizes = [80, 128], strides = [1, 1]} : vector<80x384xf32> to vector<80x128xf32>
      %slice3A_80 = vector.extract_strided_slice %add3A_78 {offsets = [0, 0], sizes = [80, 128], strides = [1, 1]} : vector<80x384xf32> to vector<80x128xf32>
      %add3A_81 = arith.addf %slice3A_79, %slice3A_80 : vector<80x128xf32>
      %logistic3A = arith.negf %add3A_81 : vector<80x128xf32>
      %logistic3A_82 = math.exp %logistic3A : vector<80x128xf32>
      %logistic3A_83 = arith.constant 1.000000e+00 : f32
      %logistic3A_84 = vector.broadcast %logistic3A_83 : f32 to vector<80x128xf32>
      %logistic3A_85 = arith.addf %logistic3A_84, %logistic3A_82 : vector<80x128xf32>
      %logistic3A_86 = arith.divf %logistic3A_84, %logistic3A_85 : vector<80x128xf32>
      %slice3A_87 = vector.extract_strided_slice %reshape3A {offsets = [0, 128], sizes = [80, 128], strides = [1, 1]} : vector<80x384xf32> to vector<80x128xf32>
      %slice3A_88 = vector.extract_strided_slice %add3A_78 {offsets = [0, 128], sizes = [80, 128], strides = [1, 1]} : vector<80x384xf32> to vector<80x128xf32>
      %add3A_89 = arith.addf %slice3A_87, %slice3A_88 : vector<80x128xf32>
      %logistic3A_90 = arith.negf %add3A_89 : vector<80x128xf32>
      %logistic3A_91 = math.exp %logistic3A_90 : vector<80x128xf32>
      %logistic3A_92 = arith.constant 1.000000e+00 : f32
      %logistic3A_93 = vector.broadcast %logistic3A_92 : f32 to vector<80x128xf32>
      %logistic3A_94 = arith.addf %logistic3A_93, %logistic3A_91 : vector<80x128xf32>
      %logistic3A_95 = arith.divf %logistic3A_93, %logistic3A_94 : vector<80x128xf32>
      %slice3A_96 = vector.extract_strided_slice %reshape3A {offsets = [0, 256], sizes = [80, 128], strides = [1, 1]} : vector<80x384xf32> to vector<80x128xf32>
      %slice3A_97 = vector.extract_strided_slice %add3A_78 {offsets = [0, 256], sizes = [80, 128], strides = [1, 1]} : vector<80x384xf32> to vector<80x128xf32>
      %mul3A = arith.mulf %logistic3A_86, %slice3A_97 : vector<80x128xf32>
      %add3A_98 = arith.addf %slice3A_96, %mul3A : vector<80x128xf32>
      %tanh3A = math.tanh %add3A_98 : vector<80x128xf32>
      %sub3A = arith.constant 1.000000e+00 : f32
      %sub3A_99 = vector.broadcast %sub3A : f32 to vector<80x128xf32>
      %sub3A_100 = arith.subf %sub3A_99, %logistic3A_95 : vector<80x128xf32>
      %mul3A_101 = arith.mulf %sub3A_100, %tanh3A : vector<80x128xf32>
      %mul3A_102 = arith.mulf %logistic3A_95, %scan3A_67 : vector<80x128xf32>
      %add3A_103 = arith.addf %mul3A_101, %mul3A_102 : vector<80x128xf32>
      scf.yield %add3A_103 : vector<80x128xf32>
    }
    %scan3A_20 = arith.constant 64 : i32
    %broadcast_in_dim3A_21 = arith.constant 0.000000e+00 : f32
    %broadcast_in_dim3A_22 = vector.broadcast %broadcast_in_dim3A_21 : f32 to vector<1x128xf32>
    %slice3A = vector.extract_strided_slice %scan3A_19 {offsets = [0, 0], sizes = [79, 128], strides = [1, 1]} : vector<80x128xf32> to vector<79x128xf32>
    %concatenate3A = tpu.concatenate %broadcast_in_dim3A_22, %slice3A in 0 : vector<1x128xf32>, vector<79x128xf32> -> vector<80x128xf32>
    %scan3A_23 = arith.constant 0 : i32
    %scan3A_24 = arith.constant 128 : i32
    %scan3A_25 = arith.addi %scan3A_23, %scan3A_24 : i32
    %scan3A_26 = arith.constant 1 : i32
    %scan3A_27 = scf.for %scan3A_66 = %scan3A_23 to %scan3A_25 step %scan3A_26 iter_args(%scan3A_67 = %concatenate3A) -> (vector<80x128xf32>)  : i32 {
      %get3A_68 = arith.index_cast %scan3A_66 : i32 to index
      %get3A_69 = arith.constant 0 : index
      %get3A_70 = arith.constant 0 : index
      %get3A_71 = vector.load %arg13[%get3A_68, %get3A_69, %get3A_70] : memref<128x80x384xf32, #tpu.memory_space<vmem>>, vector<1x80x384xf32>
      %reshape3A = vector.shape_cast %get3A_71 : vector<1x80x384xf32> to vector<80x384xf32>
      %convert_element_type3A = arith.truncf %scan3A_67 : vector<80x128xf32> to vector<80x128xbf16>
      %get3A_72 = arith.constant 0 : index
      %get3A_73 = arith.constant 0 : index
      %get3A_74 = vector.load %arg3[%get3A_72, %get3A_73] : memref<128x384xbf16, #tpu.memory_space<vmem>>, vector<128x384xbf16>
      %dot_general3A = arith.constant dense<0.000000e+00> : vector<80x384xf32>
      %dot_general3A_75 = tpu.matmul %convert_element_type3A, %get3A_74, %dot_general3A {dimension_numbers = #tpu.dot_dimension_numbers<[1], [0], [0], [1], [0, 0, 1, 1], [], []>, transpose_lhs_hint = false} : vector<80x128xbf16>, vector<128x384xbf16>, vector<80x384xf32> -> vector<80x384xf32>
      %add3A = vector.broadcast %get3A_13 : vector<1x384xf32> to vector<80x384xf32>
      %add3A_76 = arith.addf %dot_general3A_75, %add3A : vector<80x384xf32>
      %slice3A_77 = vector.extract_strided_slice %reshape3A {offsets = [0, 0], sizes = [80, 128], strides = [1, 1]} : vector<80x384xf32> to vector<80x128xf32>
      %slice3A_78 = vector.extract_strided_slice %add3A_76 {offsets = [0, 0], sizes = [80, 128], strides = [1, 1]} : vector<80x384xf32> to vector<80x128xf32>
      %add3A_79 = arith.addf %slice3A_77, %slice3A_78 : vector<80x128xf32>
      %logistic3A = arith.negf %add3A_79 : vector<80x128xf32>
      %logistic3A_80 = math.exp %logistic3A : vector<80x128xf32>
      %logistic3A_81 = arith.constant 1.000000e+00 : f32
      %logistic3A_82 = vector.broadcast %logistic3A_81 : f32 to vector<80x128xf32>
      %logistic3A_83 = arith.addf %logistic3A_82, %logistic3A_80 : vector<80x128xf32>
      %logistic3A_84 = arith.divf %logistic3A_82, %logistic3A_83 : vector<80x128xf32>
      %slice3A_85 = vector.extract_strided_slice %reshape3A {offsets = [0, 128], sizes = [80, 128], strides = [1, 1]} : vector<80x384xf32> to vector<80x128xf32>
      %slice3A_86 = vector.extract_strided_slice %add3A_76 {offsets = [0, 128], sizes = [80, 128], strides = [1, 1]} : vector<80x384xf32> to vector<80x128xf32>
      %add3A_87 = arith.addf %slice3A_85, %slice3A_86 : vector<80x128xf32>
      %logistic3A_88 = arith.negf %add3A_87 : vector<80x128xf32>
      %logistic3A_89 = math.exp %logistic3A_88 : vector<80x128xf32>
      %logistic3A_90 = arith.constant 1.000000e+00 : f32
      %logistic3A_91 = vector.broadcast %logistic3A_90 : f32 to vector<80x128xf32>
      %logistic3A_92 = arith.addf %logistic3A_91, %logistic3A_89 : vector<80x128xf32>
      %logistic3A_93 = arith.divf %logistic3A_91, %logistic3A_92 : vector<80x128xf32>
      %slice3A_94 = vector.extract_strided_slice %reshape3A {offsets = [0, 256], sizes = [80, 128], strides = [1, 1]} : vector<80x384xf32> to vector<80x128xf32>
      %slice3A_95 = vector.extract_strided_slice %add3A_76 {offsets = [0, 256], sizes = [80, 128], strides = [1, 1]} : vector<80x384xf32> to vector<80x128xf32>
      %mul3A = arith.mulf %logistic3A_84, %slice3A_95 : vector<80x128xf32>
      %add3A_96 = arith.addf %slice3A_94, %mul3A : vector<80x128xf32>
      %tanh3A = math.tanh %add3A_96 : vector<80x128xf32>
      %sub3A = arith.constant 1.000000e+00 : f32
      %sub3A_97 = vector.broadcast %sub3A : f32 to vector<80x128xf32>
      %sub3A_98 = arith.subf %sub3A_97, %logistic3A_93 : vector<80x128xf32>
      %mul3A_99 = arith.mulf %sub3A_98, %tanh3A : vector<80x128xf32>
      %mul3A_100 = arith.mulf %logistic3A_93, %scan3A_67 : vector<80x128xf32>
      %add3A_101 = arith.addf %mul3A_99, %mul3A_100 : vector<80x128xf32>
      %reshape3A_102 = vector.shape_cast %add3A_101 : vector<80x128xf32> to vector<1x80x128xf32>
      %swap3A = arith.index_cast %scan3A_66 : i32 to index
      %swap3A_103 = arith.constant 0 : index
      %swap3A_104 = arith.constant 0 : index
      %swap3A_105 = vector.load %arg14[%swap3A, %swap3A_103, %swap3A_104] : memref<128x80x128xf32, #tpu.memory_space<vmem>>, vector<1x80x128xf32>
      tpu.vector_store %arg14[%swap3A, %swap3A_103, %swap3A_104], %reshape3A_102 {strides = array<i32>} : memref<128x80x128xf32, #tpu.memory_space<vmem>>, vector<1x80x128xf32>,
      scf.yield %add3A_101 : vector<80x128xf32>
    }
    %scan3A_28 = arith.constant 128 : i32
    %get3A_29 = arith.constant 0 : index
    %get3A_30 = arith.constant 0 : index
    %get3A_31 = vector.load %arg6[%get3A_29, %get3A_30] : memref<1x384xf32, #tpu.memory_space<vmem>>, vector<1x384xf32>
    %scan3A_32 = arith.constant 0 : i32
    %scan3A_33 = arith.constant 128 : i32
    %scan3A_34 = arith.addi %scan3A_32, %scan3A_33 : i32
    %scan3A_35 = arith.constant 1 : i32
    scf.for %scan3A_66 = %scan3A_32 to %scan3A_34 step %scan3A_35  : i32 {
      %get3A_67 = arith.index_cast %scan3A_66 : i32 to index
      %get3A_68 = arith.constant 0 : index
      %get3A_69 = arith.constant 0 : index
      %get3A_70 = vector.load %arg14[%get3A_67, %get3A_68, %get3A_69] : memref<128x80x128xf32, #tpu.memory_space<vmem>>, vector<1x80x128xf32>
      %reshape3A = vector.shape_cast %get3A_70 : vector<1x80x128xf32> to vector<80x128xf32>
      %get3A_71 = arith.constant 0 : index
      %get3A_72 = arith.constant 0 : index
      %get3A_73 = vector.load %arg5[%get3A_71, %get3A_72] : memref<128x384xf32, #tpu.memory_space<vmem>>, vector<128x384xf32>
      %dot_general3A = arith.constant dense<0.000000e+00> : vector<80x384xf32>
      %dot_general3A_74 = tpu.matmul %reshape3A, %get3A_73, %dot_general3A {dimension_numbers = #tpu.dot_dimension_numbers<[1], [0], [0], [1], [0, 0, 1, 1], [], []>, transpose_lhs_hint = false} : vector<80x128xf32>, vector<128x384xf32>, vector<80x384xf32> -> vector<80x384xf32>
      %add3A = vector.broadcast %get3A_31 : vector<1x384xf32> to vector<80x384xf32>
      %add3A_75 = arith.addf %dot_general3A_74, %add3A : vector<80x384xf32>
      %reshape3A_76 = vector.shape_cast %add3A_75 : vector<80x384xf32> to vector<1x80x384xf32>
      %swap3A = arith.index_cast %scan3A_66 : i32 to index
      %swap3A_77 = arith.constant 0 : index
      %swap3A_78 = arith.constant 0 : index
      %swap3A_79 = vector.load %arg13[%swap3A, %swap3A_77, %swap3A_78] : memref<128x80x384xf32, #tpu.memory_space<vmem>>, vector<1x80x384xf32>
      tpu.vector_store %arg13[%swap3A, %swap3A_77, %swap3A_78], %reshape3A_76 {strides = array<i32>} : memref<128x80x384xf32, #tpu.memory_space<vmem>>, vector<1x80x384xf32>,
    }
    %scan3A_36 = arith.constant 128 : i32
    %get3A_37 = arith.constant 0 : index
    %get3A_38 = arith.constant 0 : index
    %get3A_39 = vector.load %arg8[%get3A_37, %get3A_38] : memref<1x384xf32, #tpu.memory_space<vmem>>, vector<1x384xf32>
    %broadcast_in_dim3A_40 = arith.constant 0.000000e+00 : f32
    %broadcast_in_dim3A_41 = vector.broadcast %broadcast_in_dim3A_40 : f32 to vector<80x128xf32>
    %scan3A_42 = arith.constant 0 : i32
    %scan3A_43 = arith.constant 64 : i32
    %scan3A_44 = arith.addi %scan3A_42, %scan3A_43 : i32
    %scan3A_45 = arith.constant 1 : i32
    %scan3A_46 = scf.for %scan3A_66 = %scan3A_42 to %scan3A_44 step %scan3A_45 iter_args(%scan3A_67 = %broadcast_in_dim3A_41) -> (vector<80x128xf32>)  : i32 {
      %add3A = arith.constant 64 : i32
      %add3A_68 = arith.addi %add3A, %scan3A_66 : i32
      %get3A_69 = arith.index_cast %add3A_68 : i32 to index
      %get3A_70 = arith.constant 0 : index
      %get3A_71 = arith.constant 0 : index
      %get3A_72 = vector.load %arg13[%get3A_69, %get3A_70, %get3A_71] : memref<128x80x384xf32, #tpu.memory_space<vmem>>, vector<1x80x384xf32>
      %reshape3A = vector.shape_cast %get3A_72 : vector<1x80x384xf32> to vector<80x384xf32>
      %convert_element_type3A = arith.truncf %scan3A_67 : vector<80x128xf32> to vector<80x128xbf16>
      %get3A_73 = arith.constant 0 : index
      %get3A_74 = arith.constant 0 : index
      %get3A_75 = vector.load %arg7[%get3A_73, %get3A_74] : memref<128x384xbf16, #tpu.memory_space<vmem>>, vector<128x384xbf16>
      %dot_general3A = arith.constant dense<0.000000e+00> : vector<80x384xf32>
      %dot_general3A_76 = tpu.matmul %convert_element_type3A, %get3A_75, %dot_general3A {dimension_numbers = #tpu.dot_dimension_numbers<[1], [0], [0], [1], [0, 0, 1, 1], [], []>, transpose_lhs_hint = false} : vector<80x128xbf16>, vector<128x384xbf16>, vector<80x384xf32> -> vector<80x384xf32>
      %add3A_77 = vector.broadcast %get3A_39 : vector<1x384xf32> to vector<80x384xf32>
      %add3A_78 = arith.addf %dot_general3A_76, %add3A_77 : vector<80x384xf32>
      %slice3A_79 = vector.extract_strided_slice %reshape3A {offsets = [0, 0], sizes = [80, 128], strides = [1, 1]} : vector<80x384xf32> to vector<80x128xf32>
      %slice3A_80 = vector.extract_strided_slice %add3A_78 {offsets = [0, 0], sizes = [80, 128], strides = [1, 1]} : vector<80x384xf32> to vector<80x128xf32>
      %add3A_81 = arith.addf %slice3A_79, %slice3A_80 : vector<80x128xf32>
      %logistic3A = arith.negf %add3A_81 : vector<80x128xf32>
      %logistic3A_82 = math.exp %logistic3A : vector<80x128xf32>
      %logistic3A_83 = arith.constant 1.000000e+00 : f32
      %logistic3A_84 = vector.broadcast %logistic3A_83 : f32 to vector<80x128xf32>
      %logistic3A_85 = arith.addf %logistic3A_84, %logistic3A_82 : vector<80x128xf32>
      %logistic3A_86 = arith.divf %logistic3A_84, %logistic3A_85 : vector<80x128xf32>
      %slice3A_87 = vector.extract_strided_slice %reshape3A {offsets = [0, 128], sizes = [80, 128], strides = [1, 1]} : vector<80x384xf32> to vector<80x128xf32>
      %slice3A_88 = vector.extract_strided_slice %add3A_78 {offsets = [0, 128], sizes = [80, 128], strides = [1, 1]} : vector<80x384xf32> to vector<80x128xf32>
      %add3A_89 = arith.addf %slice3A_87, %slice3A_88 : vector<80x128xf32>
      %logistic3A_90 = arith.negf %add3A_89 : vector<80x128xf32>
      %logistic3A_91 = math.exp %logistic3A_90 : vector<80x128xf32>
      %logistic3A_92 = arith.constant 1.000000e+00 : f32
      %logistic3A_93 = vector.broadcast %logistic3A_92 : f32 to vector<80x128xf32>
      %logistic3A_94 = arith.addf %logistic3A_93, %logistic3A_91 : vector<80x128xf32>
      %logistic3A_95 = arith.divf %logistic3A_93, %logistic3A_94 : vector<80x128xf32>
      %slice3A_96 = vector.extract_strided_slice %reshape3A {offsets = [0, 256], sizes = [80, 128], strides = [1, 1]} : vector<80x384xf32> to vector<80x128xf32>
      %slice3A_97 = vector.extract_strided_slice %add3A_78 {offsets = [0, 256], sizes = [80, 128], strides = [1, 1]} : vector<80x384xf32> to vector<80x128xf32>
      %mul3A = arith.mulf %logistic3A_86, %slice3A_97 : vector<80x128xf32>
      %add3A_98 = arith.addf %slice3A_96, %mul3A : vector<80x128xf32>
      %tanh3A = math.tanh %add3A_98 : vector<80x128xf32>
      %sub3A = arith.constant 1.000000e+00 : f32
      %sub3A_99 = vector.broadcast %sub3A : f32 to vector<80x128xf32>
      %sub3A_100 = arith.subf %sub3A_99, %logistic3A_95 : vector<80x128xf32>
      %mul3A_101 = arith.mulf %sub3A_100, %tanh3A : vector<80x128xf32>
      %mul3A_102 = arith.mulf %logistic3A_95, %scan3A_67 : vector<80x128xf32>
      %add3A_103 = arith.addf %mul3A_101, %mul3A_102 : vector<80x128xf32>
      scf.yield %add3A_103 : vector<80x128xf32>
    }
    %scan3A_47 = arith.constant 64 : i32
    %broadcast_in_dim3A_48 = arith.constant 0.000000e+00 : f32
    %broadcast_in_dim3A_49 = vector.broadcast %broadcast_in_dim3A_48 : f32 to vector<1x128xf32>
    %slice3A_50 = vector.extract_strided_slice %scan3A_46 {offsets = [0, 0], sizes = [79, 128], strides = [1, 1]} : vector<80x128xf32> to vector<79x128xf32>
    %concatenate3A_51 = tpu.concatenate %broadcast_in_dim3A_49, %slice3A_50 in 0 : vector<1x128xf32>, vector<79x128xf32> -> vector<80x128xf32>
    %scan3A_52 = arith.constant 0 : i32
    %scan3A_53 = arith.constant 128 : i32
    %scan3A_54 = arith.addi %scan3A_52, %scan3A_53 : i32
    %scan3A_55 = arith.constant 1 : i32
    %scan3A_56 = scf.for %scan3A_66 = %scan3A_52 to %scan3A_54 step %scan3A_55 iter_args(%scan3A_67 = %concatenate3A_51) -> (vector<80x128xf32>)  : i32 {
      %get3A_68 = arith.index_cast %scan3A_66 : i32 to index
      %get3A_69 = arith.constant 0 : index
      %get3A_70 = arith.constant 0 : index
      %get3A_71 = vector.load %arg13[%get3A_68, %get3A_69, %get3A_70] : memref<128x80x384xf32, #tpu.memory_space<vmem>>, vector<1x80x384xf32>
      %reshape3A = vector.shape_cast %get3A_71 : vector<1x80x384xf32> to vector<80x384xf32>
      %convert_element_type3A = arith.truncf %scan3A_67 : vector<80x128xf32> to vector<80x128xbf16>
      %get3A_72 = arith.constant 0 : index
      %get3A_73 = arith.constant 0 : index
      %get3A_74 = vector.load %arg7[%get3A_72, %get3A_73] : memref<128x384xbf16, #tpu.memory_space<vmem>>, vector<128x384xbf16>
      %dot_general3A = arith.constant dense<0.000000e+00> : vector<80x384xf32>
      %dot_general3A_75 = tpu.matmul %convert_element_type3A, %get3A_74, %dot_general3A {dimension_numbers = #tpu.dot_dimension_numbers<[1], [0], [0], [1], [0, 0, 1, 1], [], []>, transpose_lhs_hint = false} : vector<80x128xbf16>, vector<128x384xbf16>, vector<80x384xf32> -> vector<80x384xf32>
      %add3A = vector.broadcast %get3A_39 : vector<1x384xf32> to vector<80x384xf32>
      %add3A_76 = arith.addf %dot_general3A_75, %add3A : vector<80x384xf32>
      %slice3A_77 = vector.extract_strided_slice %reshape3A {offsets = [0, 0], sizes = [80, 128], strides = [1, 1]} : vector<80x384xf32> to vector<80x128xf32>
      %slice3A_78 = vector.extract_strided_slice %add3A_76 {offsets = [0, 0], sizes = [80, 128], strides = [1, 1]} : vector<80x384xf32> to vector<80x128xf32>
      %add3A_79 = arith.addf %slice3A_77, %slice3A_78 : vector<80x128xf32>
      %logistic3A = arith.negf %add3A_79 : vector<80x128xf32>
      %logistic3A_80 = math.exp %logistic3A : vector<80x128xf32>
      %logistic3A_81 = arith.constant 1.000000e+00 : f32
      %logistic3A_82 = vector.broadcast %logistic3A_81 : f32 to vector<80x128xf32>
      %logistic3A_83 = arith.addf %logistic3A_82, %logistic3A_80 : vector<80x128xf32>
      %logistic3A_84 = arith.divf %logistic3A_82, %logistic3A_83 : vector<80x128xf32>
      %slice3A_85 = vector.extract_strided_slice %reshape3A {offsets = [0, 128], sizes = [80, 128], strides = [1, 1]} : vector<80x384xf32> to vector<80x128xf32>
      %slice3A_86 = vector.extract_strided_slice %add3A_76 {offsets = [0, 128], sizes = [80, 128], strides = [1, 1]} : vector<80x384xf32> to vector<80x128xf32>
      %add3A_87 = arith.addf %slice3A_85, %slice3A_86 : vector<80x128xf32>
      %logistic3A_88 = arith.negf %add3A_87 : vector<80x128xf32>
      %logistic3A_89 = math.exp %logistic3A_88 : vector<80x128xf32>
      %logistic3A_90 = arith.constant 1.000000e+00 : f32
      %logistic3A_91 = vector.broadcast %logistic3A_90 : f32 to vector<80x128xf32>
      %logistic3A_92 = arith.addf %logistic3A_91, %logistic3A_89 : vector<80x128xf32>
      %logistic3A_93 = arith.divf %logistic3A_91, %logistic3A_92 : vector<80x128xf32>
      %slice3A_94 = vector.extract_strided_slice %reshape3A {offsets = [0, 256], sizes = [80, 128], strides = [1, 1]} : vector<80x384xf32> to vector<80x128xf32>
      %slice3A_95 = vector.extract_strided_slice %add3A_76 {offsets = [0, 256], sizes = [80, 128], strides = [1, 1]} : vector<80x384xf32> to vector<80x128xf32>
      %mul3A = arith.mulf %logistic3A_84, %slice3A_95 : vector<80x128xf32>
      %add3A_96 = arith.addf %slice3A_94, %mul3A : vector<80x128xf32>
      %tanh3A = math.tanh %add3A_96 : vector<80x128xf32>
      %sub3A = arith.constant 1.000000e+00 : f32
      %sub3A_97 = vector.broadcast %sub3A : f32 to vector<80x128xf32>
      %sub3A_98 = arith.subf %sub3A_97, %logistic3A_93 : vector<80x128xf32>
      %mul3A_99 = arith.mulf %sub3A_98, %tanh3A : vector<80x128xf32>
      %mul3A_100 = arith.mulf %logistic3A_93, %scan3A_67 : vector<80x128xf32>
      %add3A_101 = arith.addf %mul3A_99, %mul3A_100 : vector<80x128xf32>
      %reshape3A_102 = vector.shape_cast %add3A_101 : vector<80x128xf32> to vector<1x80x128xf32>
      %swap3A = arith.index_cast %scan3A_66 : i32 to index
      %swap3A_103 = arith.constant 0 : index
      %swap3A_104 = arith.constant 0 : index
      %swap3A_105 = vector.load %arg12[%swap3A, %swap3A_103, %swap3A_104] : memref<128x80x128xf32, #tpu.memory_space<vmem>>, vector<1x80x128xf32>
      tpu.vector_store %arg12[%swap3A, %swap3A_103, %swap3A_104], %reshape3A_102 {strides = array<i32>} : memref<128x80x128xf32, #tpu.memory_space<vmem>>, vector<1x80x128xf32>,
      scf.yield %add3A_101 : vector<80x128xf32>
    }
    %scan3A_57 = arith.constant 128 : i32
    %get3A_58 = arith.constant 0 : index
    %get3A_59 = arith.constant 0 : index
    %get3A_60 = vector.load %arg10[%get3A_58, %get3A_59] : memref<1x16xf32, #tpu.memory_space<vmem>>, vector<1x16xf32>
    %scan3A_61 = arith.constant 0 : i32
    %scan3A_62 = arith.constant 80 : i32
    %scan3A_63 = arith.addi %scan3A_61, %scan3A_62 : i32
    %scan3A_64 = arith.constant 1 : i32
    scf.for %scan3A_66 = %scan3A_61 to %scan3A_63 step %scan3A_64  : i32 {
      %get3A_67 = arith.constant 0 : index
      %get3A_68 = arith.index_cast %scan3A_66 : i32 to index
      %get3A_69 = arith.constant 0 : index
      %get3A_70 = vector.load %arg12[%get3A_67, %get3A_68, %get3A_69] : memref<128x80x128xf32, #tpu.memory_space<vmem>>, vector<128x1x128xf32>
      %reshape3A = vector.shape_cast %get3A_70 : vector<128x1x128xf32> to vector<128x128xf32>
      %get3A_71 = arith.constant 0 : index
      %get3A_72 = arith.constant 0 : index
      %get3A_73 = vector.load %arg9[%get3A_71, %get3A_72] : memref<128x16xf32, #tpu.memory_space<vmem>>, vector<128x16xf32>
      %dot_general3A = arith.constant dense<0.000000e+00> : vector<128x16xf32>
      %dot_general3A_74 = tpu.matmul %reshape3A, %get3A_73, %dot_general3A {dimension_numbers = #tpu.dot_dimension_numbers<[1], [0], [0], [1], [0, 0, 1, 1], [], []>, transpose_lhs_hint = false} : vector<128x128xf32>, vector<128x16xf32>, vector<128x16xf32> -> vector<128x16xf32>
      %add3A = vector.broadcast %get3A_60 : vector<1x16xf32> to vector<128x16xf32>
      %add3A_75 = arith.addf %dot_general3A_74, %add3A : vector<128x16xf32>
      %mul3A = arith.constant 128 : i32
      %mul3A_76 = arith.muli %scan3A_66, %mul3A : i32
      %multiple_of3A = tpu.assume_multiple %mul3A_76, 8 : i32
      %swap3A = arith.index_cast %multiple_of3A : i32 to index
      %swap3A_77 = arith.constant 0 : index
      %swap3A_78 = vector.load %arg11[%swap3A, %swap3A_77] : memref<10240x16xf32, #tpu.memory_space<vmem>>, vector<128x16xf32>
      tpu.vector_store %arg11[%swap3A, %swap3A_77], %add3A_75 {strides = array<i32>} : memref<10240x16xf32, #tpu.memory_space<vmem>>, vector<128x16xf32>,
    }
    %scan3A_65 = arith.constant 80 : i32
    return
  }
}

</mosaic_0001>

<sc_bundles>
// kernel: kernel.11.cloned.1.call-start
scs
__scs_entry_jumppad:
0x0: {  	(pc) =	sbr.rel $0x88, $3  }
0x1: {  	(tag) =	ssettag $0x0;
	lr =	simm.s32 $0x1  }
0x2: {  	[smem:$0x3F93] =	sst lr;
	_ =	strace $0xD0000000  }
0x3: {  	_ = 	snop  }
0x4: {  	_ = 	snop  }
0x5: {  	_ = 	snop  }
0x6: {  	_ = 	snop  }
0x7: {  	_ = 	snop  }
__scs_overlays_trampoline_lowered:
0x8: {  	[smem:$0x3FA2] =	sst s0  }
0x9: {  	[smem:$0x3FA3] =	sst s1  }
0xa: {  	[smem:$0x3FA4] =	sst s2  }
0xb: {  	[smem:$0x3FA5] =	sst s3  }
0xc: {  	[smem:$0x3FA6] =	sst s4  }
0xd: {  	[smem:$0x3FA7] =	sst s5  }
0xe: {  	[smem:$0x3FA8] =	sst s6  }
0xf: {  	[smem:$0x3FA9] =	sst s7  }
0x10: {  	[smem:$0x3FAA] =	sst s8  }
0x11: {  	[smem:$0x3FAB] =	sst s9;
	s0 =	simm.s32 @!p0 $0x0  }
0x12: {  	s1 =	sld [smem:$0x3F91];
	s0 =	simm.s32 @p0 $0x1  }
0x13: {  	[smem:$0x3FAC] =	sst s0;
	s0 =	simm.s32 @!p1 $0x0  }
0x14: {  	s2 =	sld [smem:$0x3F90];
	s0 =	simm.s32 @p1 $0x1  }
0x15: {  	[smem:$0x3FAD] =	sst s0;
	s0 =	simm.s32 @!p2 $0x0  }
0x16: {  	s3 =	sld [smem:$0x3FDB];
	s0 =	simm.s32 @p2 $0x1  }
0x17: {  	s4 =	simm.s32 $0x1BF5;
	[smem:$0x3FAF] =	sst s0  }
0x18: {  	s0 =	sld [smem:$0x3F92];
	_ =	swait.ge [sflag:s4], $0x0  }
0x19: {  	s7 =	sld [smem:$0x3F93]  }
0x1a: {  	s8 =	sadd.s32 $0xFFFFE003, lr  }
0x1b: {  	s9 =	sadd.s32 $0xFFFFFEF7, lr;
	s5 =	simm.s32 $0xFFFFFFFF;
	p2 =	slt.u32 s8, $0xFFFFF086  }
0x1c: {  	p1 =	slt.u32 s9, $0xF7A;
	s5 =	simm.s32 @!p2 $0x0  }
0x1d: {  	s5 =	simm.s32 @p1 $0x1;
	p0 =	seq.s32 s7, s2  }
0x1e: {  	s7 =	smul.u32 @!p0 $0xF7A, s2;
	p2 =	seq.s32 @!p0 s5, $0x0  }
0x1f: {  	s9 =	smul.u32 $0xF7A, s1;
	s8 =	simm.s32 @!p0 $0x1BF5;
	p2 =	por !p2, p0  }
0x20: {  	[sflag:s8] =	ssyncset.s32 @!p0 $0xFFFFF086;
	s6 =	sadd.s32 @!p0 s3, s7;
	s7 =	simm.s32 @!p0 $0x108  }
0x21: {  	s3 =	sadd.s32 s3, s9;
	s6 =	sadd.s32 @!p0 $0x88, s6;
	s7 =	simm.s32 @p2 $0x1082  }
0x22: {  	[simem:s7], [sflag:s8] =	dma.local @!p0 [hbm:s6], $0xF7A  }
0x23: {  	s9 =	sor.u32 $0xD0000000, s2;
	s6 =	simm.s32 $0x108;
	_ =	swait.ge @!p0 [sflag:s8], $0x0  }
0x24: {  	s3 =	sadd.s32 $0x88, s3;
	s6 =	simm.s32 @!p1 $0x1082;
	[sflag:s4] =	ssyncset.s32 $0xFFFFF086  }
0x25: {  	[simem:s6], [sflag:s4] =	dma.local [hbm:s3], $0xF7A  }
0x26: {  	[smem:$0x3F93] =	sst s1;
	(tag) =	ssettag s2;
	_ =	strace s9  }
0x27: {  	s1 =	sld [smem:$0x3FA3]  }
0x28: {  	s2 =	sld [smem:$0x3FA4]  }
0x29: {  	s4 =	sld [smem:$0x3FA6]  }
0x2a: {  	p0 =	seq.s32 s5, $0x0;
	s5 =	sld [smem:$0x3FA7]  }
0x2b: {  	s6 =	sld [smem:$0x3FA8]  }
0x2c: {  	s7 =	sld [smem:$0x3FA9]  }
0x2d: {  	s3 =	simm.s32 $0x108;
	s8 =	sld [smem:$0x3FAA]  }
0x2e: {  	s3 =	simm.s32 @!p0 $0x1082;
	s9 =	sld [smem:$0x3FAB]  }
0x2f: {  	lr =	sadd.s32 s0, s3;
	s0 =	sld [smem:$0x3FA2]  }
0x30: {  	s3 =	sld [smem:$0x3FA5]  }
0x31: {  	[smem:$0x3FAE] =	sst s10  }
0x32: {  	s10 =	sld [smem:$0x3FAC];
	_ =	sdelay $0x3  }
0x33: {  	p0 =	seq.s32 s10, $0x1;
	s10 =	sld [smem:$0x3FAE];
	_ =	sdelay $0x3  }
0x34: {  	[smem:$0x3FAE] =	sst s10  }
0x35: {  	s10 =	sld [smem:$0x3FAD];
	_ =	sdelay $0x3  }
0x36: {  	p1 =	seq.s32 s10, $0x1;
	s10 =	sld [smem:$0x3FAE];
	_ =	sdelay $0x3  }
0x37: {  	[smem:$0x3FAE] =	sst s10  }
0x38: {  	s10 =	sld [smem:$0x3FAF]  }
0x39: {  	_ = 	snop;
	(pc) =	sbr.ind lr, $3  }
0x3a: {  	_ = 	snop  }
0x3b: {  	_ = 	snop  }
0x3c: {  	p2 =	seq.s32 s10, $0x1;
	s10 =	sld [smem:$0x3FAE]  }
0x3d: {  	_ =	shalt  }
0x3e: {  	_ =	shalt  }
0x3f: {  	_ =	shalt  }
0x40: {  	_ =	shalt  }
0x41: {  	_ =	shalt  }
0x42: {  	_ =	shalt  }
0x43: {  	_ =	shalt  }
0x44: {  	_ =	shalt  }
0x45: {  	_ =	shalt  }
0x46: {  	_ =	shalt  }
0x47: {  	_ =	shalt  }
0x48: {  	_ =	shalt  }
0x49: {  	_ =	shalt  }
0x4a: {  	_ =	shalt  }
0x4b: {  	_ =	shalt  }
0x4c: {  	_ =	shalt  }
0x4d: {  	_ =	shalt  }
0x4e: {  	_ =	shalt  }
0x4f: {  	_ =	shalt  }
0x50: {  	_ =	shalt  }
0x51: {  	_ =	shalt  }
0x52: {  	_ =	shalt  }
0x53: {  	_ =	shalt  }
0x54: {  	_ =	shalt  }
0x55: {  	_ =	shalt  }
0x56: {  	_ =	shalt  }
0x57: {  	_ =	shalt  }
0x58: {  	_ =	shalt  }
0x59: {  	_ =	shalt  }
0x5a: {  	_ =	shalt  }
0x5b: {  	_ =	shalt  }
0x5c: {  	_ =	shalt  }
0x5d: {  	_ =	shalt  }
0x5e: {  	_ =	shalt  }
0x5f: {  	_ =	shalt  }
0x60: {  	_ =	shalt  }
0x61: {  	_ =	shalt  }
0x62: {  	_ =	shalt  }
0x63: {  	_ =	shalt  }
0x64: {  	_ =	shalt  }
0x65: {  	_ =	shalt  }
0x66: {  	_ =	shalt  }
0x67: {  	_ =	shalt  }
0x68: {  	_ =	shalt  }
0x69: {  	_ =	shalt  }
0x6a: {  	_ =	shalt  }
0x6b: {  	_ =	shalt  }
0x6c: {  	_ =	shalt  }
0x6d: {  	_ =	shalt  }
0x6e: {  	_ =	shalt  }
0x6f: {  	_ =	shalt  }
0x70: {  	_ =	shalt  }
0x71: {  	_ =	shalt  }
0x72: {  	_ =	shalt  }
0x73: {  	_ =	shalt  }
0x74: {  	_ =	shalt  }
0x75: {  	_ =	shalt  }
0x76: {  	_ =	shalt  }
0x77: {  	_ =	shalt  }
0x78: {  	_ =	shalt  }
0x79: {  	_ =	shalt  }
0x7a: {  	_ =	shalt  }
0x7b: {  	_ =	shalt  }
0x7c: {  	_ =	shalt  }
0x7d: {  	_ =	shalt  }
0x7e: {  	_ =	shalt  }
0x7f: {  	_ =	shalt  }
0x80: {  	_ =	shalt  }
0x81: {  	_ =	shalt  }
0x82: {  	_ =	shalt  }
0x83: {  	_ =	shalt  }
0x84: {  	_ =	shalt  }
0x85: {  	_ =	shalt  }
0x86: {  	_ =	shalt  }
0x87: {  	_ =	shalt  }
.Lfunc_end0:
.L_simem_size_0:
called_computation.1_lowered:
.L_overlay_start_0:
0x88: {  	s2 =	sld [smem:$0x3FD9]  }
0x89: {  	s3 =	sld [smem:$0x3FFE];
	_ =	sdelay $0x1  }
0x8a: {  	s1 =	srdreg.scid  }
0x8b: {  	s0 =	sand.u32 $0x1, s1  }
0x8c: {  	s16 =	sshll.u32 s0, $0xA;
	s2 =	sadd.s32 s3, s2  }
0x8d: {  	s2 =	sadd.s32 s2, s16  }
0x8e: {  	[smem:$0x3FBA] =	sst s2  }
0x8f: {  	_ = 	snop  }
0x90: {  	(tm) =	ssettm $0x1  }
0x91: {  	s17 =	sld [smem:$0x3FFB];
	_ =	sdelay $0x3  }
0x92: {  	_ =	strace s17  }
0x93: {  	s2 =	sld [smem:$0x3FFC];
	_ =	sdelay $0x3  }
0x94: {  	_ =	strace s2  }
0x95: {  	s2 =	sld [smem:$0x3FFD];
	_ =	sdelay $0x3  }
0x96: {  	_ =	strace s2  }
0x97: {  	_ =	strace $0x8FFFFFFF  }
0x98: {  	s18 =	sld [smem:$0x3FDB];
	_ =	sdelay $0x1  }
0x99: {  	s19 =	simm.s32 $_scs_section_size  }
0x9a: {  	s4 =	simm.s32 $_size__tile_overlayer_lowered;
	s5 =	simm.s32 $_tile_overlayer_lowered  }
0x9b: {  	s22 =	simm.s32 $0x1BFF;
	s21 =	sshll.u32 s5, $0x1;
	s2 =	sadd.s32 s19, s18  }
0x9c: {  	s6 =	simm.s32 $0x0;
	s20 =	sshll.u32 s4, $0x1;
	s4 =	sadd.s32 s21, s2  }
0x9d: {  	[timem:s6], [sflag:s22] =	dma.local [hbm:s4], s20  }
0x9e: {  	_ =	swait.ge [sflag:s22], s20  }
0x9f: {  	s3 =	ssub.s32 $0x0, s20;
	[sflag:s22] =	ssyncset.done $0x0  }
0xa0: {  	[sflag:s22] =	ssyncadd.s32 s3;
	_ =	sdelay $0x1  }
0xa1: {  	s23 =	simm.s32 $0x1B8B  }
0xa2: {  	_ =	swait.ge [sflag:s23], $0x1  }
0xa3: {  	[sflag:s23] =	ssyncset.done $0x0  }
0xa4: {  	s25 =	simm.s32 $0x1B8E;
	s24 =	sld [smem:$0x3FFE];
	[sflag:s23] =	ssyncadd.s32 $0xFFFFFFFF  }
0xa5: {  	s26 =	simm.s32 $execute0_lowered;
	[smem:$0x3FD2] =	sst s25  }
0xa6: {  	s4 =	sshll.u32 s26, $0x1;
	_ =	strace $0x80000049;
	[dreg:$0x1] =	wrdreg $0xFFFFFFFF  }
0xa7: {  	s28 =	simm.s32 $_size_execute0_lowered;
	s2 =	sadd.s32 s2, s4;
	[dreg:$0x0] =	wrdreg $0x0  }
0xa8: {  	s4 =	sshll.u32 s28, $0x1;
	[dreg:$0x2] =	wrdreg s2  }
0xa9: {  	[dreg:$0x3] =	wrdreg s4  }
0xaa: {  	[dreg:$0x4] =	wrdreg $0xC0  }
0xab: {  	_ =	task [dreg:s6], $0x5FFFF  }
0xac: {  	[dreg:$0x1] =	wrdreg $0xFFFFFFFF  }
0xad: {  	[dreg:$0x0] =	wrdreg $0x60  }
0xae: {  	[dreg:$0x2] =	wrdreg s24  }
0xaf: {  	[dreg:$0x3] =	wrdreg $0x92000  }
0xb0: {  	[dreg:$0x4] =	wrdreg $0x9  }
0xb1: {  	_ =	task.clear_ibuf [dreg:s6], $0x5FFFF;
	_ =	strace $0x90000049  }
0xb2: {  	s29 =	simm.s32 $0x9;
	_ =	strace $0x8000004B  }
0xb3: {  	_ =	swait.ge [sflag:s29], $0x1  }
0xb4: {  	[sflag:s29] =	ssyncadd.s32 $0xFFFFFFFF  }
0xb5: {  	_ =	strace $0x9000004B  }
0xb6: {  	_ =	sfence  }
0xb7: {  	s30 =	sld [smem:$0x0];
	_ =	sdelay $0x2  }
0xb8: {  	s31 =	sshll.u32 s1, $0xD;
	s1 =	sshrl.u32 s1, $0x2  }
0xb9: {  	s3 =	sand.u32 $0x4000, s31;
	s1 =	sadd.s32 s1, s30  }
0xba: {  	s0 =	sor.u32 s3, s0;
	s1 =	sshll.u32 s1, $0x11  }
0xbb: {  	s0 =	sor.u32 s1, s0  }
0xbc: {  	s0 =	sadd.s32 $0x8F2B, s0  }
0xbd: {  	[sflag:s0] =	ssyncadd.remote.s32 $0x1  }
0xbe: {  	_ =	sfence.sel $0xFFFF  }
0xbf: {  	[dreg:$0x0] =	wrdreg $0xFFFFFFFF;
	(pc) =	sbr.abs _section_cstart, $3  }
0xc0: {  	[dreg:$0x1] =	wrdreg $0xFFFFFFFF  }
0xc1: {  	_ =	task.clear_ibuf [dreg:s6], $0x2FFFF;
	_ =	strace $0x9FFFFFFF  }
0xc2: {  	(tm) =	ssettm $0x7FFFFFFF  }
0xc3: {  	_ =	shalt  }
tec
execute0_lowered:
.L_overlay_start_1:
0x0: {  	(tag) =	ssettag $0x1  }
0x1: {  	s0 =	rddreg [dreg:$0x0]  }
0x2: {  	s1 =	rddreg [dreg:$0x1];
	s2 =	simm.s32 $0x0;
	s4 =	srdreg.scid  }
0x3: {  	s12 =	stileid.u32;
	s30 =	simm.s32 $0x5200;
	s31 =	simm.s32 $0x4  }
0x4: {  	[smem:$0x7FF] =	sst s2;
	s3 =	sadd.s32 $0x23400, s0;
	s5 =	sadd.s32 $0x13400, s0  }
0x5: {  	s6 =	sadd.s32 $0x3400, s0;
	s4 =	sand.u32 $0x1, s4;
	s9 =	smul.u32 $0x50000, s12  }
0x6: {  	s0 =	sadd.s32 $0x71800, s0;
	s10 =	sshll.u32 s12, $0xE;
	s12 =	smul.u32 $0x14000, s12  }
0x7: {  	_ =	strace $0x8000004A;
	s8 =	ssub.s32 $0x2, s4;
	s7 =	sshll.u32 s4, $0x12  }
0x8: {  	s4 =	smul.u32 $0x140000, s4;
	s11 =	sshrl.u32 s8, $0x1;
	s7 =	sor.u32 s10, s7  }
0x9: {  	s9 =	sshrl.u32 s9, $0x2;
	s26 =	sadd.s32 $0x4000, s12;
	s17 =	sadd.s32 $0x8000, s12  }
0xa: {  	s19 =	sadd.s32 $0xC000, s12;
	s10 =	sshrl.u32 s7, $0x3;
	s11 =	ssub.s32 s8, s11  }
0xb: {  	s8 =	sadd.s32 s9, s1;
	s13 =	sadd.s32 s4, s12;
	s15 =	sadd.s32 s4, s26  }
0xc: {  	s18 =	sadd.s32 s4, s17;
	s12 =	sadd.s32 $0x10000, s12;
	s23 =	sadd.s32 s5, s10  }
0xd: {  	s24 =	sadd.s32 s6, s10;
	s25 =	sor.u32 $0x10, s10;
	s13 =	sshrl.u32 s13, $0x3  }
0xe: {  	s11 =	smax.u32 s11, $0x1;
	s16 =	sadd.s32 $0x4000, s8;
	[dreg:$0x3] =	wrdreg s23  }
0xf: {  	s10 =	sor.u32 $0x7C0, s10;
	s28 =	sadd.s32 $0xC000, s8;
	[dreg:$0x4] =	wrdreg s24  }
0x10: {  	s29 =	sadd.s32 $0x10000, s8;
	s14 =	sadd.s32 s5, s25;
	[dreg:$0x8] =	wrdreg s11  }
0x11: {  	s9 =	sadd.s32 s6, s25;
	s13 =	sadd.s32 s0, s13;
	[dreg:$0x9] =	wrdreg s16  }
0x12: {  	s11 =	sshrl.u32 s18, $0x3;
	s20 =	sadd.s32 s5, s10;
	s21 =	sadd.s32 s6, s10  }
0x13: {  	s23 =	sadd.s32 s26, s1;
	s24 =	sadd.s32 s17, s1;
	[dreg:$0x5] =	wrdreg s14  }
0x14: {  	s25 =	sadd.s32 s19, s1;
	s26 =	sadd.s32 s12, s1;
	[dreg:$0x6] =	wrdreg s9  }
0x15: {  	s10 =	simm.s32 $0x100;
	s16 =	simm.s32 $0x0;
	[dreg:$0x7] =	wrdreg s13  }
0x16: {  	s9 =	sshrl.u32 s15, $0x3;
	s15 =	sadd.s32 s4, s19;
	s4 =	sadd.s32 s4, s12  }
0x17: {  	s11 =	sadd.s32 s0, s11;
	s12 =	simm.s32 $0x2A00;
	s13 =	simm.s32 $0x2  }
0x18: {  	s14 =	simm.s32 $0x3;
	s9 =	sadd.s32 s0, s9;
	[dreg:$0xb] =	wrdreg s11  }
0x19: {  	s22 =	sshrl.u32 s15, $0x3;
	s4 =	sshrl.u32 s4, $0x3;
	s15 =	simm.s32 $0x180  }
0x1a: {  	[dreg:$0xa] =	wrdreg s9;
	s11 =	sadd.s32 s0, s22;
	s0 =	sadd.s32 s0, s4  }
0x1b: {  	s4 =	simm.s32 $0x50;
	s9 =	simm.s32 $0x200;
	[dreg:$0xc] =	wrdreg s11  }
0x1c: {  	[dreg:$0xd] =	wrdreg s0;
	s0 =	sshrl.u32 s23, $0x3;
	s23 =	sshrl.u32 s24, $0x3  }
0x1d: {  	s24 =	sshrl.u32 s25, $0x3;
	s25 =	sshrl.u32 s26, $0x3;
	s26 =	sadd.s32 $0x8000, s8  }
0x1e: {  	v0 =	vimm.f32 $0.0e+00;
	s11 =	simm.s32 $0x1;
	[dreg:$0xe] =	wrdreg s0;
	s0 =	simm.s32 $0x80  }
.LBB2_1:
0x1f: {  	s17 =	simm.s32 $0x0;
	s18 =	simm.s32 $0x200  }
.LBB2_2:
0x20: {  	p0 =	sne.s32 s18, $0xFE00;
	[tilespmem:s17+$0x5270] =	vst v0  }
0x21: {  	[tilespmem:s17+$0x5200] =	vst v0  }
0x22: {  	[tilespmem:s17+$0x5210] =	vst v0  }
.Ltmp0:
0x23: {  	[tilespmem:s17+$0x5220] =	vst v0;
	(pc) =	sbr.rel @p0 .LBB2_2-.Ltmp0, $4  }
0x24: {  	[tilespmem:s17+$0x5230] =	vst v0  }
0x25: {  	[tilespmem:s17+$0x5240] =	vst v0  }
0x26: {  	[tilespmem:s17+$0x5250] =	vst v0  }
0x27: {  	[tilespmem:s17+$0x5260] =	vst v0;
	s17 =	sshra.s32 s18, $0x2;
	s18 =	sadd.s32 $0x200, s18  }
0x28: {  	[tilespmem:s17+$0x5270] =	vst v0  }
0x29: {  	[tilespmem:s17+$0x5200] =	vst v0  }
0x2a: {  	[tilespmem:s17+$0x5210] =	vst v0  }
0x2b: {  	[tilespmem:s17+$0x5220] =	vst v0  }
0x2c: {  	[tilespmem:s17+$0x5230] =	vst v0  }
0x2d: {  	[tilespmem:s17+$0x5240] =	vst v0  }
0x2e: {  	[tilespmem:s17+$0x5250] =	vst v0  }
0x2f: {  	[tilespmem:s17+$0x5260] =	vst v0  }
0x30: {  	[spmem:s8] =	stream.linear.scatter [tilespmem:s30], [sflag:$0x4], $0x4000, $0x38;
	[tilespmem:$0x1D200] =	vst v63  }
0x31: {  	_ =	swait.ge [sflag:s31], $0x4000  }
0x32: {  	[sflag:s31] =	ssyncset.done $0x0  }
0x33: {  	s19 =	rddreg [dreg:$0x9];
	[sflag:s31] =	ssyncadd.s32 $0xFFFFC000  }
0x34: {  	[spmem:s19] =	stream.linear.scatter [tilespmem:s30], [sflag:$0x4], $0x4000, $0x38;
	[tilespmem:$0x1D200] =	vst v63  }
0x35: {  	_ =	swait.ge [sflag:s31], $0x4000  }
0x36: {  	[sflag:s31] =	ssyncset.done $0x0  }
0x37: {  	[sflag:s31] =	ssyncadd.s32 $0xFFFFC000  }
0x38: {  	[spmem:s26] =	stream.linear.scatter [tilespmem:s30], [sflag:$0x4], $0x4000, $0x38;
	[tilespmem:$0x1D200] =	vst v63  }
0x39: {  	_ =	swait.ge [sflag:s31], $0x4000  }
0x3a: {  	[sflag:s31] =	ssyncset.done $0x0  }
0x3b: {  	[sflag:s31] =	ssyncadd.s32 $0xFFFFC000  }
0x3c: {  	[spmem:s28] =	stream.linear.scatter [tilespmem:s30], [sflag:$0x4], $0x4000, $0x38;
	[tilespmem:$0x1D200] =	vst v63  }
0x3d: {  	_ =	swait.ge [sflag:s31], $0x4000  }
0x3e: {  	[sflag:s31] =	ssyncset.done $0x0  }
0x3f: {  	[sflag:s31] =	ssyncadd.s32 $0xFFFFC000  }
0x40: {  	[spmem:s29] =	stream.linear.scatter [tilespmem:s30], [sflag:$0x4], $0x4000, $0x38;
	[tilespmem:$0x1D200] =	vst v63  }
0x41: {  	_ =	swait.ge [sflag:s31], $0x4000  }
0x42: {  	[sflag:s31] =	ssyncset.done $0x0  }
0x43: {  	[sflag:s31] =	ssyncadd.s32 $0xFFFFC000  }
0x44: {  	[bflag:$0x0] =	sbarrier.arrive $0xFFFF  }
0x45: {  	s22 =	rddreg [dreg:$0x3]  }
0x46: {  	[tilespmem:s2], [sflag:$0x4] =	stream.linear.gather [hbm4b:s22+s2], $0x80, $0x38;
	[tilespmem:$0x1D200] =	vst v63  }
0x47: {  	_ =	swait.ge [sflag:s31], $0x80  }
0x48: {  	[sflag:s31] =	ssyncset.done $0x0  }
0x49: {  	s18 =	rddreg [dreg:$0x4];
	[sflag:s31] =	ssyncadd.s32 $0xFFFFFF80  }
0x4a: {  	[tilespmem:s0], [sflag:$0x4] =	stream.linear.gather [hbm4b:s18+s2], $0x80, $0x38;
	[tilespmem:$0x1D200] =	vst v63  }
0x4b: {  	_ =	swait.ge [sflag:s31], $0x80  }
0x4c: {  	[sflag:s31] =	ssyncset.done $0x0  }
0x4d: {  	[sflag:s31] =	ssyncadd.s32 $0xFFFFFF80  }
0x4e: {  	[tilespmem:s9], [sflag:$0x2] =	stream.indirect.gather [hbm4b:s3+s4], $0x80, s2, s4, $0xb8;
	[tilespmem:$0x1D200] =	vst v63  }
0x4f: {  	s19 =	rddreg [dreg:$0x5]  }
0x50: {  	[tilespmem:s10], [sflag:$0x1] =	stream.linear.gather [hbm4b:s19+s2], $0x80, $0x38;
	[tilespmem:$0x1D200] =	vst v63  }
0x51: {  	s17 =	simm.s32 $0x180;
	s18 =	rddreg [dreg:$0x6]  }
0x52: {  	[tilespmem:s17], [sflag:$0x1] =	stream.linear.gather [hbm4b:s18+s2], $0x80, $0x38;
	[tilespmem:$0x1D200] =	vst v63  }
0x53: {  	_ =	swait.ge [sflag:s11], $0x80  }
0x54: {  	[sflag:s11] =	ssyncset.done $0x0  }
0x55: {  	[sflag:s11] =	ssyncadd.s32 $0xFFFFFF80  }
0x56: {  	_ =	swait.ge [sflag:s11], $0x80  }
0x57: {  	[sflag:s11] =	ssyncset.done $0x0  }
0x58: {  	[sflag:s11] =	ssyncadd.s32 $0xFFFFFF80  }
0x59: {  	[tilespmem:s12], [sflag:$0x3] =	stream.indirect.gather [hbm4b:s3+s4], $0x80, s10, s4, $0xb8;
	[tilespmem:$0x1D200] =	vst v63  }
0x5a: {  	s22 =	simm.s32 $0x100;
	_ =	swait.ge [sflag:s13], $0x2800  }
0x5b: {  	s19 =	sand.u32 $0x7C00, s22;
	[sflag:s13] =	ssyncset.done $0x0  }
0x5c: {  	s19 =	sadd.s32 s7, s19;
	s18 =	sand.u32 $0x300, s22;
	[sflag:s13] =	ssyncadd.s32 $0xFFFFD800  }
0x5d: {  	[spmem:s1] =	stream.indirect.scatter.add.f32 [tilespmem:s9], [sflag:$0x4], $0x80, s0, s4, $0xb8;
	[tilespmem:$0x1D200] =	vst v63  }
0x5e: {  	s18 =	sor.u32 s18, s19;
	_ =	swait.ge [sflag:s31], $0x2800  }
0x5f: {  	s18 =	sshrl.u32 s18, $0x3;
	[sflag:s31] =	ssyncset.done $0x0  }
0x60: {  	s22 =	sadd.s32 s5, s18;
	[sflag:s31] =	ssyncadd.s32 $0xFFFFD800  }
0x61: {  	[tilespmem:s2], [sflag:$0x1] =	stream.linear.gather [hbm4b:s22+s2], $0x80, $0x38;
	[tilespmem:$0x1D200] =	vst v63  }
0x62: {  	s18 =	sadd.s32 s6, s18  }
0x63: {  	[tilespmem:s0], [sflag:$0x1] =	stream.linear.gather [hbm4b:s18+s2], $0x80, $0x38;
	[tilespmem:$0x1D200] =	vst v63  }
0x64: {  	_ =	swait.ge [sflag:s11], $0x80  }
0x65: {  	[sflag:s11] =	ssyncset.done $0x0  }
0x66: {  	[sflag:s11] =	ssyncadd.s32 $0xFFFFFF80  }
0x67: {  	_ =	swait.ge [sflag:s11], $0x80  }
0x68: {  	[sflag:s11] =	ssyncset.done $0x0  }
0x69: {  	[sflag:s11] =	ssyncadd.s32 $0xFFFFFF80  }
0x6a: {  	[tilespmem:s9], [sflag:$0x2] =	stream.indirect.gather [hbm4b:s3+s4], $0x80, s2, s4, $0xb8;
	[tilespmem:$0x1D200] =	vst v63  }
0x6b: {  	_ =	swait.ge [sflag:s14], $0x2800  }
0x6c: {  	s22 =	sand.u32 $0x7C00, s17;
	[sflag:s14] =	ssyncset.done $0x0  }
0x6d: {  	s17 =	sand.u32 $0x380, s17;
	s18 =	sadd.s32 s7, s22;
	[sflag:s14] =	ssyncadd.s32 $0xFFFFD800  }
0x6e: {  	[spmem:s1] =	stream.indirect.scatter.add.f32 [tilespmem:s12], [sflag:$0x4], $0x80, s15, s4, $0xb8;
	[tilespmem:$0x1D200] =	vst v63  }
0x6f: {  	s17 =	sor.u32 s17, s18;
	_ =	swait.ge [sflag:s31], $0x2800  }
0x70: {  	s18 =	sshrl.u32 s17, $0x3;
	[sflag:s31] =	ssyncset.done $0x0  }
0x71: {  	s17 =	sadd.s32 s5, s18;
	[sflag:s31] =	ssyncadd.s32 $0xFFFFD800  }
0x72: {  	[tilespmem:s10], [sflag:$0x1] =	stream.linear.gather [hbm4b:s17+s2], $0x80, $0x38;
	[tilespmem:$0x1D200] =	vst v63  }
0x73: {  	s19 =	sadd.s32 s6, s18;
	s17 =	simm.s32 $0x280  }
.LBB2_4:
0x74: {  	p0 =	sne.s32 s17, $0x3D80;
	s18 =	smov.u32 s17;
	s17 =	sadd.s32 $0x100, s17  }
0x75: {  	[tilespmem:s15], [sflag:$0x1] =	stream.linear.gather [hbm4b:s19+s2], $0x80, $0x38;
	[tilespmem:$0x1D200] =	vst v63  }
0x76: {  	_ =	swait.ge [sflag:s11], $0x80  }
0x77: {  	[sflag:s11] =	ssyncset.done $0x0  }
0x78: {  	[sflag:s11] =	ssyncadd.s32 $0xFFFFFF80  }
0x79: {  	_ =	swait.ge [sflag:s11], $0x80  }
0x7a: {  	[sflag:s11] =	ssyncset.done $0x0  }
0x7b: {  	[sflag:s11] =	ssyncadd.s32 $0xFFFFFF80  }
0x7c: {  	[tilespmem:s12], [sflag:$0x3] =	stream.indirect.gather [hbm4b:s3+s4], $0x80, s10, s4, $0xb8;
	[tilespmem:$0x1D200] =	vst v63  }
0x7d: {  	_ =	swait.ge [sflag:s13], $0x2800  }
0x7e: {  	s19 =	sadd.s32 $0xFFFFFF80, s18;
	[sflag:s13] =	ssyncset.done $0x0  }
0x7f: {  	s22 =	sand.u32 $0x7C00, s19;
	s19 =	sand.u32 $0x300, s19;
	[sflag:s13] =	ssyncadd.s32 $0xFFFFD800  }
0x80: {  	[spmem:s1] =	stream.indirect.scatter.add.f32 [tilespmem:s9], [sflag:$0x4], $0x80, s0, s4, $0xb8;
	[tilespmem:$0x1D200] =	vst v63  }
0x81: {  	s22 =	sadd.s32 s7, s22;
	_ =	swait.ge [sflag:s31], $0x2800  }
0x82: {  	s19 =	sor.u32 s19, s22;
	[sflag:s31] =	ssyncset.done $0x0  }
0x83: {  	s19 =	sshrl.u32 s19, $0x3;
	[sflag:s31] =	ssyncadd.s32 $0xFFFFD800  }
0x84: {  	s22 =	sadd.s32 s5, s19;
	s19 =	sadd.s32 s6, s19  }
0x85: {  	[tilespmem:s2], [sflag:$0x1] =	stream.linear.gather [hbm4b:s22+s2], $0x80, $0x38;
	[tilespmem:$0x1D200] =	vst v63  }
0x86: {  	_ = 	snop  }
0x87: {  	[tilespmem:s0], [sflag:$0x1] =	stream.linear.gather [hbm4b:s19+s2], $0x80, $0x38;
	[tilespmem:$0x1D200] =	vst v63  }
0x88: {  	_ =	swait.ge [sflag:s11], $0x80  }
0x89: {  	[sflag:s11] =	ssyncset.done $0x0  }
0x8a: {  	[sflag:s11] =	ssyncadd.s32 $0xFFFFFF80  }
0x8b: {  	_ =	swait.ge [sflag:s11], $0x80  }
0x8c: {  	[sflag:s11] =	ssyncset.done $0x0  }
0x8d: {  	[sflag:s11] =	ssyncadd.s32 $0xFFFFFF80  }
0x8e: {  	[tilespmem:s9], [sflag:$0x2] =	stream.indirect.gather [hbm4b:s3+s4], $0x80, s2, s4, $0xb8;
	[tilespmem:$0x1D200] =	vst v63  }
0x8f: {  	_ =	swait.ge [sflag:s14], $0x2800  }
0x90: {  	s19 =	sand.u32 $0x7C00, s18;
	[sflag:s14] =	ssyncset.done $0x0  }
0x91: {  	s18 =	sand.u32 $0x380, s18;
	s19 =	sadd.s32 s7, s19;
	[sflag:s14] =	ssyncadd.s32 $0xFFFFD800  }
0x92: {  	[spmem:s1] =	stream.indirect.scatter.add.f32 [tilespmem:s12], [sflag:$0x4], $0x80, s15, s4, $0xb8;
	[tilespmem:$0x1D200] =	vst v63  }
.Ltmp1:
0x93: {  	_ = 	snop;
	(pc) =	sbr.rel @p0 .LBB2_4-.Ltmp1, $4  }
0x94: {  	s18 =	sor.u32 s18, s19;
	_ =	swait.ge [sflag:s31], $0x2800  }
0x95: {  	s18 =	sshrl.u32 s18, $0x3;
	[sflag:s31] =	ssyncset.done $0x0  }
0x96: {  	s22 =	sadd.s32 s5, s18;
	s19 =	sadd.s32 s6, s18;
	[sflag:s31] =	ssyncadd.s32 $0xFFFFD800  }
0x97: {  	[tilespmem:s10], [sflag:$0x1] =	stream.linear.gather [hbm4b:s22+s2], $0x80, $0x38;
	[tilespmem:$0x1D200] =	vst v63  }
0x98: {  	[tilespmem:s15], [sflag:$0x1] =	stream.linear.gather [hbm4b:s19+s2], $0x80, $0x38;
	[tilespmem:$0x1D200] =	vst v63  }
0x99: {  	_ =	swait.ge [sflag:s11], $0x80  }
0x9a: {  	[sflag:s11] =	ssyncset.done $0x0  }
0x9b: {  	[sflag:s11] =	ssyncadd.s32 $0xFFFFFF80  }
0x9c: {  	_ =	swait.ge [sflag:s11], $0x80  }
0x9d: {  	[sflag:s11] =	ssyncset.done $0x0  }
0x9e: {  	[sflag:s11] =	ssyncadd.s32 $0xFFFFFF80  }
0x9f: {  	[tilespmem:s12], [sflag:$0x3] =	stream.indirect.gather [hbm4b:s3+s4], $0x80, s10, s4, $0xb8;
	[tilespmem:$0x1D200] =	vst v63  }
0xa0: {  	_ =	swait.ge [sflag:s13], $0x2800  }
0xa1: {  	[sflag:s13] =	ssyncset.done $0x0  }
0xa2: {  	[sflag:s13] =	ssyncadd.s32 $0xFFFFD800  }
0xa3: {  	[spmem:s1] =	stream.indirect.scatter.add.f32 [tilespmem:s9], [sflag:$0x4], $0x80, s0, s4, $0xb8;
	[tilespmem:$0x1D200] =	vst v63  }
0xa4: {  	_ =	swait.ge [sflag:s31], $0x2800  }
0xa5: {  	[sflag:s31] =	ssyncset.done $0x0  }
0xa6: {  	[sflag:s31] =	ssyncadd.s32 $0xFFFFD800  }
0xa7: {  	[tilespmem:s2], [sflag:$0x1] =	stream.linear.gather [hbm4b:s20+s2], $0x80, $0x38;
	[tilespmem:$0x1D200] =	vst v63  }
0xa8: {  	_ = 	snop  }
0xa9: {  	[tilespmem:s0], [sflag:$0x1] =	stream.linear.gather [hbm4b:s21+s2], $0x80, $0x38;
	[tilespmem:$0x1D200] =	vst v63  }
0xaa: {  	_ =	swait.ge [sflag:s11], $0x80  }
0xab: {  	[sflag:s11] =	ssyncset.done $0x0  }
0xac: {  	[sflag:s11] =	ssyncadd.s32 $0xFFFFFF80  }
0xad: {  	_ =	swait.ge [sflag:s11], $0x80  }
0xae: {  	[sflag:s11] =	ssyncset.done $0x0  }
0xaf: {  	[sflag:s11] =	ssyncadd.s32 $0xFFFFFF80  }
0xb0: {  	[tilespmem:s9], [sflag:$0x2] =	stream.indirect.gather [hbm4b:s3+s4], $0x80, s2, s4, $0xb8;
	[tilespmem:$0x1D200] =	vst v63  }
0xb1: {  	_ =	swait.ge [sflag:s14], $0x2800  }
0xb2: {  	[sflag:s14] =	ssyncset.done $0x0  }
0xb3: {  	[sflag:s14] =	ssyncadd.s32 $0xFFFFD800  }
0xb4: {  	[spmem:s1] =	stream.indirect.scatter.add.f32 [tilespmem:s12], [sflag:$0x4], $0x80, s15, s4, $0xb8;
	[tilespmem:$0x1D200] =	vst v63  }
0xb5: {  	_ =	swait.ge [sflag:s31], $0x2800  }
0xb6: {  	[sflag:s31] =	ssyncset.done $0x0  }
0xb7: {  	[sflag:s31] =	ssyncadd.s32 $0xFFFFD800  }
0xb8: {  	[tilespmem:s10], [sflag:$0x1] =	stream.linear.gather [hbm4b:s20+s2], $0x80, $0x38;
	[tilespmem:$0x1D200] =	vst v63  }
0xb9: {  	_ = 	snop  }
0xba: {  	[tilespmem:s15], [sflag:$0x1] =	stream.linear.gather [hbm4b:s21+s2], $0x80, $0x38;
	[tilespmem:$0x1D200] =	vst v63  }
0xbb: {  	_ =	swait.ge [sflag:s11], $0x80  }
0xbc: {  	[sflag:s11] =	ssyncset.done $0x0  }
0xbd: {  	[sflag:s11] =	ssyncadd.s32 $0xFFFFFF80  }
0xbe: {  	_ =	swait.ge [sflag:s11], $0x80  }
0xbf: {  	[sflag:s11] =	ssyncset.done $0x0  }
0xc0: {  	[sflag:s11] =	ssyncadd.s32 $0xFFFFFF80  }
0xc1: {  	_ =	swait.ge [sflag:s13], $0x2800  }
0xc2: {  	[sflag:s13] =	ssyncset.done $0x0  }
0xc3: {  	[sflag:s13] =	ssyncadd.s32 $0xFFFFD800  }
0xc4: {  	[spmem:s1] =	stream.indirect.scatter.add.f32 [tilespmem:s9], [sflag:$0x4], $0x80, s0, s4, $0xb8;
	[tilespmem:$0x1D200] =	vst v63  }
0xc5: {  	_ =	swait.ge [sflag:s31], $0x2800  }
0xc6: {  	[sflag:s31] =	ssyncset.done $0x0  }
0xc7: {  	s17 =	stileid.u32;
	[sflag:s31] =	ssyncadd.s32 $0xFFFFD800  }
0xc8: {  	s17 =	sshll.u32 s17, $0x6;
	[bflag:$0x0] =	sbarrier.arrive $0xFFFF  }
0xc9: {  	s18 =	sshrl.u32 s8, $0x3;
	s17 =	sor.u32 $0x1C04, s17;
	s22 =	rddreg [dreg:$0x7]  }
0xca: {  	[hbm:s22], [sflag:s17] =	dma.local [spmem:s18], $0x800  }
0xcb: {  	_ =	swait.ge [sflag:s31], $0x800  }
0xcc: {  	[sflag:s31] =	ssyncset.done $0x0;
	s19 =	rddreg [dreg:$0xa]  }
0xcd: {  	s22 =	rddreg [dreg:$0xe];
	[sflag:s31] =	ssyncadd.s32 $0xFFFFF800  }
0xce: {  	[hbm:s19], [sflag:s17] =	dma.local [spmem:s22], $0x800  }
0xcf: {  	_ =	swait.ge [sflag:s31], $0x800  }
0xd0: {  	[sflag:s31] =	ssyncset.done $0x0  }
0xd1: {  	s19 =	rddreg [dreg:$0xb];
	[sflag:s31] =	ssyncadd.s32 $0xFFFFF800  }
0xd2: {  	[hbm:s19], [sflag:s17] =	dma.local [spmem:s23], $0x800  }
0xd3: {  	_ =	swait.ge [sflag:s31], $0x800  }
0xd4: {  	[sflag:s31] =	ssyncset.done $0x0  }
0xd5: {  	s22 =	rddreg [dreg:$0xc];
	[sflag:s31] =	ssyncadd.s32 $0xFFFFF800  }
0xd6: {  	[hbm:s22], [sflag:s17] =	dma.local [spmem:s24], $0x800  }
0xd7: {  	_ =	swait.ge [sflag:s31], $0x800  }
0xd8: {  	[sflag:s31] =	ssyncset.done $0x0  }
0xd9: {  	s19 =	rddreg [dreg:$0xd];
	[sflag:s31] =	ssyncadd.s32 $0xFFFFF800  }
0xda: {  	[hbm:s19], [sflag:s17] =	dma.local [spmem:s25], $0x800  }
0xdb: {  	_ =	swait.ge [sflag:s31], $0x800  }
0xdc: {  	s16 =	sadd.s32 $0x1, s16;
	s22 =	rddreg [dreg:$0x8]  }
0xdd: {  	p0 =	sne.s32 s16, s22  }
.Ltmp2:
0xde: {  	_ = 	snop;
	(pc) =	sbr.rel @p0 .LBB2_1-.Ltmp2, $3  }
0xdf: {  	_ =	sdelay $0x1  }
0xe0: {  	[sflag:s31] =	ssyncset.done $0x0  }
0xe1: {  	[sflag:s31] =	ssyncadd.s32 $0xFFFFF800  }
0xe2: {  	_ =	sfence.sel $0x180000  }
0xe3: {  	[bflag:$0x0] =	sbarrier.arrive $0xFFFF  }
0xe4: {  	_ =	strace $0x9000004A  }
0xe5: {  	s0 =	stileid.u32;
	[bflag:$0x2] =	sbarrier.arrive $0xFFFF  }
0xe6: {  	p0 =	sne.s32 s0, $0x0;
	s0 =	rddreg [dreg:$0x2]  }
0xe7: {  	s0 =	sadd.s32 @!p0 $0x100000, s0  }
0xe8: {  	[sflag:s0] =	ssyncadd.tile.s32 @!p0 $0x1;
	_ =	shalt  }
.Lfunc_end2:
_tile_overlayer_lowered:
.L_overlay_start_2:
0xe9: {  	(tag) =	ssettag $0x2  }
0xea: {  	s0 =	rddreg [dreg:$0x0];
	s2 =	stileid.u32  }
0xeb: {  	s1 =	rddreg [dreg:$0x1];
	p0 =	sne.s32 s2, $0x0  }
0xec: {  	s3 =	rddreg [dreg:$0x2];
	[bflag:$0x3] =	sbarrier.arrive $0xFFFF;
	s2 =	simm.s32 @!p0 $0x1C04  }
0xed: {  	[timem:s3], [sflag:s2] =	dma.local @!p0 [hbm:s0], s1  }
0xee: {  	s0 =	simm.s32 @!p0 $0x4  }
0xef: {  	_ =	swait.ge @!p0 [sflag:s0], s1  }
0xf0: {  	s1 =	ssub.s32 @!p0 $0x0, s1;
	[sflag:s0] =	ssyncset.done @!p0 $0x0  }
0xf1: {  	[sflag:s0] =	ssyncadd.s32 @!p0 s1  }
0xf2: {  	[bflag:$0x3] =	sbarrier.arrive $0xFFFF  }
0xf3: {  	_ =	shalt  }

// kernel: kernel.8.cloned.1.call-start
scs
__scs_entry_jumppad:
0x0: {  	(pc) =	sbr.rel $0x88, $3  }
0x1: {  	(tag) =	ssettag $0x0;
	lr =	simm.s32 $0x1  }
0x2: {  	[smem:$0x3F93] =	sst lr;
	_ =	strace $0xD0000000  }
0x3: {  	_ = 	snop  }
0x4: {  	_ = 	snop  }
0x5: {  	_ = 	snop  }
0x6: {  	_ = 	snop  }
0x7: {  	_ = 	snop  }
__scs_overlays_trampoline_lowered:
0x8: {  	[smem:$0x3FA2] =	sst s0  }
0x9: {  	[smem:$0x3FA3] =	sst s1  }
0xa: {  	[smem:$0x3FA4] =	sst s2  }
0xb: {  	[smem:$0x3FA5] =	sst s3  }
0xc: {  	[smem:$0x3FA6] =	sst s4  }
0xd: {  	[smem:$0x3FA7] =	sst s5  }
0xe: {  	[smem:$0x3FA8] =	sst s6  }
0xf: {  	[smem:$0x3FA9] =	sst s7  }
0x10: {  	[smem:$0x3FAA] =	sst s8  }
0x11: {  	[smem:$0x3FAB] =	sst s9;
	s0 =	simm.s32 @!p0 $0x0  }
0x12: {  	s1 =	sld [smem:$0x3F91];
	s0 =	simm.s32 @p0 $0x1  }
0x13: {  	[smem:$0x3FAC] =	sst s0;
	s0 =	simm.s32 @!p1 $0x0  }
0x14: {  	s2 =	sld [smem:$0x3F90];
	s0 =	simm.s32 @p1 $0x1  }
0x15: {  	[smem:$0x3FAD] =	sst s0;
	s0 =	simm.s32 @!p2 $0x0  }
0x16: {  	s3 =	sld [smem:$0x3FDB];
	s0 =	simm.s32 @p2 $0x1  }
0x17: {  	s4 =	simm.s32 $0x1BF5;
	[smem:$0x3FAF] =	sst s0  }
0x18: {  	s0 =	sld [smem:$0x3F92];
	_ =	swait.ge [sflag:s4], $0x0  }
0x19: {  	s7 =	sld [smem:$0x3F93]  }
0x1a: {  	s8 =	sadd.s32 $0xFFFFE003, lr  }
0x1b: {  	s9 =	sadd.s32 $0xFFFFFEF7, lr;
	s5 =	simm.s32 $0xFFFFFFFF;
	p2 =	slt.u32 s8, $0xFFFFF086  }
0x1c: {  	p1 =	slt.u32 s9, $0xF7A;
	s5 =	simm.s32 @!p2 $0x0  }
0x1d: {  	s5 =	simm.s32 @p1 $0x1;
	p0 =	seq.s32 s7, s2  }
0x1e: {  	s7 =	smul.u32 @!p0 $0xF7A, s2;
	p2 =	seq.s32 @!p0 s5, $0x0  }
0x1f: {  	s9 =	smul.u32 $0xF7A, s1;
	s8 =	simm.s32 @!p0 $0x1BF5;
	p2 =	por !p2, p0  }
0x20: {  	[sflag:s8] =	ssyncset.s32 @!p0 $0xFFFFF086;
	s6 =	sadd.s32 @!p0 s3, s7;
	s7 =	simm.s32 @!p0 $0x108  }
0x21: {  	s3 =	sadd.s32 s3, s9;
	s6 =	sadd.s32 @!p0 $0x88, s6;
	s7 =	simm.s32 @p2 $0x1082  }
0x22: {  	[simem:s7], [sflag:s8] =	dma.local @!p0 [hbm:s6], $0xF7A  }
0x23: {  	s9 =	sor.u32 $0xD0000000, s2;
	s6 =	simm.s32 $0x108;
	_ =	swait.ge @!p0 [sflag:s8], $0x0  }
0x24: {  	s3 =	sadd.s32 $0x88, s3;
	s6 =	simm.s32 @!p1 $0x1082;
	[sflag:s4] =	ssyncset.s32 $0xFFFFF086  }
0x25: {  	[simem:s6], [sflag:s4] =	dma.local [hbm:s3], $0xF7A  }
0x26: {  	[smem:$0x3F93] =	sst s1;
	(tag) =	ssettag s2;
	_ =	strace s9  }
0x27: {  	s1 =	sld [smem:$0x3FA3]  }
0x28: {  	s2 =	sld [smem:$0x3FA4]  }
0x29: {  	s4 =	sld [smem:$0x3FA6]  }
0x2a: {  	p0 =	seq.s32 s5, $0x0;
	s5 =	sld [smem:$0x3FA7]  }
0x2b: {  	s6 =	sld [smem:$0x3FA8]  }
0x2c: {  	s7 =	sld [smem:$0x3FA9]  }
0x2d: {  	s3 =	simm.s32 $0x108;
	s8 =	sld [smem:$0x3FAA]  }
0x2e: {  	s3 =	simm.s32 @!p0 $0x1082;
	s9 =	sld [smem:$0x3FAB]  }
0x2f: {  	lr =	sadd.s32 s0, s3;
	s0 =	sld [smem:$0x3FA2]  }
0x30: {  	s3 =	sld [smem:$0x3FA5]  }
0x31: {  	[smem:$0x3FAE] =	sst s10  }
0x32: {  	s10 =	sld [smem:$0x3FAC];
	_ =	sdelay $0x3  }
0x33: {  	p0 =	seq.s32 s10, $0x1;
	s10 =	sld [smem:$0x3FAE];
	_ =	sdelay $0x3  }
0x34: {  	[smem:$0x3FAE] =	sst s10  }
0x35: {  	s10 =	sld [smem:$0x3FAD];
	_ =	sdelay $0x3  }
0x36: {  	p1 =	seq.s32 s10, $0x1;
	s10 =	sld [smem:$0x3FAE];
	_ =	sdelay $0x3  }
0x37: {  	[smem:$0x3FAE] =	sst s10  }
0x38: {  	s10 =	sld [smem:$0x3FAF]  }
0x39: {  	_ = 	snop;
	(pc) =	sbr.ind lr, $3  }
0x3a: {  	_ = 	snop  }
0x3b: {  	_ = 	snop  }
0x3c: {  	p2 =	seq.s32 s10, $0x1;
	s10 =	sld [smem:$0x3FAE]  }
0x3d: {  	_ =	shalt  }
0x3e: {  	_ =	shalt  }
0x3f: {  	_ =	shalt  }
0x40: {  	_ =	shalt  }
0x41: {  	_ =	shalt  }
0x42: {  	_ =	shalt  }
0x43: {  	_ =	shalt  }
0x44: {  	_ =	shalt  }
0x45: {  	_ =	shalt  }
0x46: {  	_ =	shalt  }
0x47: {  	_ =	shalt  }
0x48: {  	_ =	shalt  }
0x49: {  	_ =	shalt  }
0x4a: {  	_ =	shalt  }
0x4b: {  	_ =	shalt  }
0x4c: {  	_ =	shalt  }
0x4d: {  	_ =	shalt  }
0x4e: {  	_ =	shalt  }
0x4f: {  	_ =	shalt  }
0x50: {  	_ =	shalt  }
0x51: {  	_ =	shalt  }
0x52: {  	_ =	shalt  }
0x53: {  	_ =	shalt  }
0x54: {  	_ =	shalt  }
0x55: {  	_ =	shalt  }
0x56: {  	_ =	shalt  }
0x57: {  	_ =	shalt  }
0x58: {  	_ =	shalt  }
0x59: {  	_ =	shalt  }
0x5a: {  	_ =	shalt  }
0x5b: {  	_ =	shalt  }
0x5c: {  	_ =	shalt  }
0x5d: {  	_ =	shalt  }
0x5e: {  	_ =	shalt  }
0x5f: {  	_ =	shalt  }
0x60: {  	_ =	shalt  }
0x61: {  	_ =	shalt  }
0x62: {  	_ =	shalt  }
0x63: {  	_ =	shalt  }
0x64: {  	_ =	shalt  }
0x65: {  	_ =	shalt  }
0x66: {  	_ =	shalt  }
0x67: {  	_ =	shalt  }
0x68: {  	_ =	shalt  }
0x69: {  	_ =	shalt  }
0x6a: {  	_ =	shalt  }
0x6b: {  	_ =	shalt  }
0x6c: {  	_ =	shalt  }
0x6d: {  	_ =	shalt  }
0x6e: {  	_ =	shalt  }
0x6f: {  	_ =	shalt  }
0x70: {  	_ =	shalt  }
0x71: {  	_ =	shalt  }
0x72: {  	_ =	shalt  }
0x73: {  	_ =	shalt  }
0x74: {  	_ =	shalt  }
0x75: {  	_ =	shalt  }
0x76: {  	_ =	shalt  }
0x77: {  	_ =	shalt  }
0x78: {  	_ =	shalt  }
0x79: {  	_ =	shalt  }
0x7a: {  	_ =	shalt  }
0x7b: {  	_ =	shalt  }
0x7c: {  	_ =	shalt  }
0x7d: {  	_ =	shalt  }
0x7e: {  	_ =	shalt  }
0x7f: {  	_ =	shalt  }
0x80: {  	_ =	shalt  }
0x81: {  	_ =	shalt  }
0x82: {  	_ =	shalt  }
0x83: {  	_ =	shalt  }
0x84: {  	_ =	shalt  }
0x85: {  	_ =	shalt  }
0x86: {  	_ =	shalt  }
0x87: {  	_ =	shalt  }
.Lfunc_end0:
.L_simem_size_0:
called_computation_lowered:
.L_overlay_start_0:
0x88: {  	s2 =	sld [smem:$0x3FD9]  }
0x89: {  	s3 =	sld [smem:$0x3FFE];
	_ =	sdelay $0x1  }
0x8a: {  	s1 =	srdreg.scid  }
0x8b: {  	s0 =	sand.u32 $0x1, s1  }
0x8c: {  	s17 =	sshll.u32 s0, $0xA;
	s2 =	sadd.s32 s3, s2  }
0x8d: {  	s2 =	sadd.s32 s2, s17  }
0x8e: {  	[smem:$0x3FBA] =	sst s2  }
0x8f: {  	_ = 	snop  }
0x90: {  	s2 =	sld [smem:$0x3FD0];
	(tm) =	ssettm $0x1  }
0x91: {  	s18 =	sld [smem:$0x3FFB];
	_ =	sdelay $0x3  }
0x92: {  	_ =	strace s18  }
0x93: {  	s3 =	sld [smem:$0x3FFC];
	_ =	sdelay $0x3  }
0x94: {  	_ =	strace s3  }
0x95: {  	s3 =	sld [smem:$0x3FFD];
	_ =	sdelay $0x3  }
0x96: {  	_ =	strace s3  }
0x97: {  	_ =	strace $0x8FFFFFFF  }
0x98: {  	s19 =	sld [smem:$0x3FDB];
	_ =	sdelay $0x1  }
0x99: {  	s4 =	simm.s32 $_scs_section_size  }
0x9a: {  	s5 =	simm.s32 $_size__tile_overlayer_lowered;
	s6 =	simm.s32 $_tile_overlayer_lowered  }
0x9b: {  	s22 =	simm.s32 $0x1BFF;
	s21 =	sshll.u32 s6, $0x1;
	s3 =	sadd.s32 s4, s19  }
0x9c: {  	s7 =	simm.s32 $0x0;
	s20 =	sshll.u32 s5, $0x1;
	s5 =	sadd.s32 s21, s3  }
0x9d: {  	[timem:s7], [sflag:s22] =	dma.local [hbm:s5], s20  }
0x9e: {  	_ =	swait.ge [sflag:s22], s20  }
0x9f: {  	s4 =	ssub.s32 $0x0, s20;
	[sflag:s22] =	ssyncset.done $0x0  }
0xa0: {  	[sflag:s22] =	ssyncadd.s32 s4;
	_ =	sdelay $0x1  }
0xa1: {  	s23 =	simm.s32 $0x1B8B  }
0xa2: {  	_ =	swait.ge [sflag:s23], $0x1  }
0xa3: {  	[sflag:s23] =	ssyncset.done $0x0  }
0xa4: {  	s25 =	simm.s32 $0x1B8E;
	s24 =	sld [smem:$0x3FFE];
	[sflag:s23] =	ssyncadd.s32 $0xFFFFFFFF  }
0xa5: {  	s26 =	simm.s32 $execute0_lowered;
	[smem:$0x3FD2] =	sst s25  }
0xa6: {  	s5 =	sshll.u32 s26, $0x1;
	_ =	strace $0x80000046;
	[dreg:$0x1] =	wrdreg $0xFFFFFFFF  }
0xa7: {  	s28 =	simm.s32 $_size_execute0_lowered;
	s3 =	sadd.s32 s3, s5;
	[dreg:$0x0] =	wrdreg $0x0  }
0xa8: {  	s5 =	sshll.u32 s28, $0x1;
	[dreg:$0x2] =	wrdreg s3  }
0xa9: {  	[dreg:$0x3] =	wrdreg s5  }
0xaa: {  	[dreg:$0x4] =	wrdreg $0xC0  }
0xab: {  	_ =	task [dreg:s7], $0x5FFFF  }
0xac: {  	[dreg:$0x1] =	wrdreg $0xFFFFFFFF  }
0xad: {  	[dreg:$0x0] =	wrdreg $0x60  }
0xae: {  	[dreg:$0x2] =	wrdreg s24  }
0xaf: {  	[dreg:$0x3] =	wrdreg s2  }
0xb0: {  	[dreg:$0x4] =	wrdreg $0x3800  }
0xb1: {  	[dreg:$0x5] =	wrdreg $0x9  }
0xb2: {  	_ =	task.clear_ibuf [dreg:s7], $0x6FFFF;
	_ =	strace $0x90000046  }
0xb3: {  	s29 =	simm.s32 $0x9;
	_ =	strace $0x80000048  }
0xb4: {  	_ =	swait.ge [sflag:s29], $0x1  }
0xb5: {  	[sflag:s29] =	ssyncadd.s32 $0xFFFFFFFF  }
0xb6: {  	_ =	strace $0x90000048  }
0xb7: {  	_ =	sfence  }
0xb8: {  	s30 =	sld [smem:$0x0];
	_ =	sdelay $0x2  }
0xb9: {  	s31 =	sshll.u32 s1, $0xD;
	s1 =	sshrl.u32 s1, $0x2  }
0xba: {  	s3 =	sand.u32 $0x4000, s31;
	s1 =	sadd.s32 s1, s30  }
0xbb: {  	s0 =	sor.u32 s3, s0;
	s1 =	sshll.u32 s1, $0x11  }
0xbc: {  	s0 =	sor.u32 s1, s0  }
0xbd: {  	s0 =	sadd.s32 $0x8F2B, s0  }
0xbe: {  	[sflag:s0] =	ssyncadd.remote.s32 $0x1  }
0xbf: {  	_ =	sfence.sel $0xFFFF  }
0xc0: {  	[dreg:$0x0] =	wrdreg $0xFFFFFFFF;
	(pc) =	sbr.abs _section_cstart, $3  }
0xc1: {  	[dreg:$0x1] =	wrdreg $0xFFFFFFFF  }
0xc2: {  	_ =	task.clear_ibuf [dreg:s7], $0x2FFFF;
	_ =	strace $0x9FFFFFFF  }
0xc3: {  	(tm) =	ssettm $0x7FFFFFFF  }
tec
execute0_lowered:
.L_overlay_start_1:
0x0: {  	(tag) =	ssettag $0x1  }
0x1: {  	s4 =	rddreg [dreg:$0x0]  }
0x2: {  	s5 =	rddreg [dreg:$0x1]  }
0x3: {  	s1 =	rddreg [dreg:$0x2]  }
0x4: {  	s0 =	rddreg [dreg:$0x3]  }
0x5: {  	s2 =	simm.s32 $0x0;
	s3 =	srdreg.scid;
	s14 =	simm.s32 $0x20  }
0x6: {  	s15 =	simm.s32 $0x10;
	s16 =	simm.s32 $0x0;
	[smem:$0x7FF] =	sst s2  }
0x7: {  	s6 =	sand.u32 $0x1, s3;
	s3 =	stileid.u32;
	_ =	strace $0x80000047  }
0x8: {  	s7 =	sshll.u32 s6, $0xF;
	s8 =	ssub.s32 $0x2, s6;
	s9 =	smul.u32 $0x500, s3  }
0x9: {  	s11 =	smul.u32 $0xA00, s3;
	s6 =	sshll.u32 s6, $0x7;
	s30 =	sshll.u32 s3, $0xB  }
0xa: {  	s12 =	sshll.u32 s3, $0x6;
	s10 =	sshrl.u32 s8, $0x1;
	s7 =	sadd.s32 s7, s4  }
0xb: {  	s12 =	sor.u32 $0x1C01, s12;
	s8 =	ssub.s32 s8, s10;
	s28 =	sor.u32 s6, s9  }
0xc: {  	s29 =	sshrl.u32 s11, $0x2;
	s7 =	sadd.s32 s30, s7;
	s9 =	simm.s32 $0x1  }
0xd: {  	s10 =	simm.s32 $0x80;
	s11 =	simm.s32 $0x50;
	s31 =	sshrl.u32 s28, $0x3  }
0xe: {  	s4 =	sadd.s32 s29, s1;
	s6 =	smax.u32 s8, $0x1;
	s7 =	sadd.s32 $0x3400, s7  }
0xf: {  	v0 =	vimm.f32 $1.000000000e+00;
	v1 =	vimm.f32 $0.0e+00;
	s8 =	simm.s32 $0x100;
	s5 =	sadd.s32 s5, s31;
	s13 =	sshrl.u32 s4, $0x3  }
.LBB2_1:
0x10: {  	[tilespmem:$0x0] =	vst v0  }
0x11: {  	[tilespmem:$0x10] =	vst v0  }
0x12: {  	[tilespmem:$0x20] =	vst v0  }
0x13: {  	[tilespmem:$0x30] =	vst v0  }
0x14: {  	[tilespmem:$0x40] =	vst v0  }
0x15: {  	[tilespmem:$0x100] =	vst v1  }
0x16: {  	[tilespmem:$0x110] =	vst v1  }
0x17: {  	[tilespmem:$0x120] =	vst v1  }
0x18: {  	[tilespmem:$0x130] =	vst v1  }
0x19: {  	[tilespmem:$0x140] =	vst v1  }
0x1a: {  	[tilespmem:$0x150] =	vst v1  }
0x1b: {  	[tilespmem:$0x160] =	vst v1  }
0x1c: {  	[tilespmem:$0x170] =	vst v1  }
0x1d: {  	[tilespmem:$0x180] =	vst v1  }
0x1e: {  	[tilespmem:$0x190] =	vst v1  }
0x1f: {  	[tilespmem:$0x1A0] =	vst v1  }
0x20: {  	[tilespmem:$0x1B0] =	vst v1  }
0x21: {  	[tilespmem:$0x1C0] =	vst v1  }
0x22: {  	[tilespmem:$0x1D0] =	vst v1  }
0x23: {  	[tilespmem:$0x1E0] =	vst v1  }
0x24: {  	[tilespmem:$0x1F0] =	vst v1  }
0x25: {  	[tilespmem:$0x200] =	vst v1  }
0x26: {  	[tilespmem:$0x210] =	vst v1  }
0x27: {  	[tilespmem:$0x220] =	vst v1  }
0x28: {  	[tilespmem:$0x230] =	vst v1  }
0x29: {  	[tilespmem:$0x240] =	vst v1  }
0x2a: {  	[tilespmem:$0x250] =	vst v1  }
0x2b: {  	[tilespmem:$0x260] =	vst v1  }
0x2c: {  	[tilespmem:$0x270] =	vst v1  }
0x2d: {  	[tilespmem:$0x280] =	vst v1  }
0x2e: {  	[tilespmem:$0x290] =	vst v1  }
0x2f: {  	[tilespmem:$0x2A0] =	vst v1  }
0x30: {  	[tilespmem:$0x2B0] =	vst v1  }
0x31: {  	[tilespmem:$0x2C0] =	vst v1  }
0x32: {  	[tilespmem:$0x2D0] =	vst v1  }
0x33: {  	[tilespmem:$0x2E0] =	vst v1  }
0x34: {  	[tilespmem:$0x2F0] =	vst v1  }
0x35: {  	[tilespmem:$0x300] =	vst v1  }
0x36: {  	[tilespmem:$0x310] =	vst v1  }
0x37: {  	[tilespmem:$0x320] =	vst v1  }
0x38: {  	[tilespmem:$0x330] =	vst v1  }
0x39: {  	[tilespmem:$0x340] =	vst v1  }
0x3a: {  	[tilespmem:$0x350] =	vst v1  }
0x3b: {  	[tilespmem:$0x360] =	vst v1  }
0x3c: {  	[tilespmem:$0x370] =	vst v1  }
0x3d: {  	[spmem:s4] =	stream.linear.scatter [tilespmem:s8], [sflag:$0x1], $0x280, $0x38;
	[tilespmem:$0x600] =	vst v63  }
0x3e: {  	_ =	swait.ge [sflag:s9], $0x280  }
0x3f: {  	[sflag:s9] =	ssyncset.done $0x0  }
0x40: {  	[sflag:s9] =	ssyncadd.s32 $0xFFFFFD80  }
0x41: {  	s17 =	sadd.s32 $0x0, s7;
	[bflag:$0x0] =	sbarrier.arrive $0xFFFF  }
0x42: {  	[tilespmem:s10], [sflag:$0x1] =	stream.linear.gather [hbm4b:s17+s2], $0x80, $0x38;
	[tilespmem:$0x600] =	vst v63  }
0x43: {  	_ =	swait.ge [sflag:s9], $0x80  }
0x44: {  	[sflag:s9] =	ssyncset.done $0x0  }
0x45: {  	[sflag:s9] =	ssyncadd.s32 $0xFFFFFF80  }
0x46: {  	[spmem:s1] =	stream.indirect.scatter.add.f32 [tilespmem:s2], [sflag:$0x1], $0x1, s10, s11, $0xb8;
	[tilespmem:$0x600] =	vst v63  }
0x47: {  	_ =	swait.ge [sflag:s9], $0x50  }
0x48: {  	s18 =	simm.s32 $0x20;
	s17 =	simm.s32 $0x10;
	[sflag:s9] =	ssyncset.done $0x0  }
.LBB2_2:
0x49: {  	s19 =	sadd.s32 s17, s7  }
0x4a: {  	[sflag:s9] =	ssyncadd.s32 $0xFFFFFFB0;
	s17 =	smov.u32 s18;
	s20 =	sadd.s32 $0x10, s18  }
0x4b: {  	[tilespmem:s10], [sflag:$0x1] =	stream.linear.gather [hbm4b:s19+s2], $0x80, $0x38;
	[tilespmem:$0x600] =	vst v63  }
0x4c: {  	p0 =	sne.s32 s18, $0x7C0;
	_ =	swait.ge [sflag:s9], $0x80  }
.Ltmp0:
0x4d: {  	[sflag:s9] =	ssyncset.done $0x0;
	(pc) =	sbr.rel @p0 .LBB2_2-.Ltmp0, $4  }
0x4e: {  	[sflag:s9] =	ssyncadd.s32 $0xFFFFFF80  }
0x4f: {  	[spmem:s1] =	stream.indirect.scatter.add.f32 [tilespmem:s2], [sflag:$0x1], $0x1, s10, s11, $0xb8;
	[tilespmem:$0x600] =	vst v63  }
0x50: {  	_ =	swait.ge [sflag:s9], $0x50  }
0x51: {  	s18 =	smov.u32 s20;
	[sflag:s9] =	ssyncset.done $0x0  }
0x52: {  	s17 =	sadd.s32 s17, s7;
	[sflag:s9] =	ssyncadd.s32 $0xFFFFFFB0  }
0x53: {  	[tilespmem:s10], [sflag:$0x1] =	stream.linear.gather [hbm4b:s17+s2], $0x80, $0x38;
	[tilespmem:$0x600] =	vst v63  }
0x54: {  	_ =	swait.ge [sflag:s9], $0x80  }
0x55: {  	[sflag:s9] =	ssyncset.done $0x0  }
0x56: {  	[sflag:s9] =	ssyncadd.s32 $0xFFFFFF80  }
0x57: {  	[spmem:s1] =	stream.indirect.scatter.add.f32 [tilespmem:s2], [sflag:$0x1], $0x1, s10, s11, $0xb8;
	[tilespmem:$0x600] =	vst v63  }
0x58: {  	_ =	swait.ge [sflag:s9], $0x50  }
0x59: {  	s16 =	sadd.s32 $0x1, s16;
	[sflag:s9] =	ssyncset.done $0x0  }
0x5a: {  	p0 =	sne.s32 s16, s6;
	[sflag:s9] =	ssyncadd.s32 $0xFFFFFFB0  }
.Ltmp1:
0x5b: {  	[bflag:$0x0] =	sbarrier.arrive $0xFFFF;
	(pc) =	sbr.rel @p0 .LBB2_1-.Ltmp1, $4  }
0x5c: {  	[hbm:s5@s14], [sflag:s12] =	dma.strided [spmem:s13@s15], $0x50, s9, $0x10   }
0x5d: {  	_ =	swait.ge [sflag:s9], $0x50  }
0x5e: {  	[sflag:s9] =	ssyncset.done $0x0  }
0x5f: {  	[sflag:s9] =	ssyncadd.s32 $0xFFFFFFB0  }
0x60: {  	_ =	sfence.sel $0x180000  }
0x61: {  	[bflag:$0x0] =	sbarrier.arrive $0xFFFF  }
0x62: {  	p0 =	sne.s32 s3, $0x0;
	_ =	strace $0x90000047  }
0x63: {  	s0 =	sadd.s32 @!p0 $0x100000, s0;
	[bflag:$0x2] =	sbarrier.arrive $0xFFFF  }
0x64: {  	[sflag:s0] =	ssyncadd.tile.s32 @!p0 $0x1;
	_ =	shalt  }
.Lfunc_end2:
_tile_overlayer_lowered:
.L_overlay_start_2:
0x65: {  	(tag) =	ssettag $0x2  }
0x66: {  	s0 =	rddreg [dreg:$0x0];
	s2 =	stileid.u32  }
0x67: {  	s1 =	rddreg [dreg:$0x1];
	p0 =	sne.s32 s2, $0x0  }
0x68: {  	s3 =	rddreg [dreg:$0x2];
	[bflag:$0x3] =	sbarrier.arrive $0xFFFF;
	s2 =	simm.s32 @!p0 $0x1C01  }
0x69: {  	[timem:s3], [sflag:s2] =	dma.local @!p0 [hbm:s0], s1  }
0x6a: {  	s0 =	simm.s32 @!p0 $0x1  }
0x6b: {  	_ =	swait.ge @!p0 [sflag:s0], s1  }
0x6c: {  	s1 =	ssub.s32 @!p0 $0x0, s1;
	[sflag:s0] =	ssyncset.done @!p0 $0x0  }
0x6d: {  	[sflag:s0] =	ssyncadd.s32 @!p0 s1  }
0x6e: {  	[bflag:$0x3] =	sbarrier.arrive $0xFFFF  }
0x6f: {  	_ =	shalt  }

</sc_bundles>
